<compile_context>
chip_gen: v7x
topology: tpu7x:2x2x1
jax: 0.10.2.dev20260603
libtpu: 0.0.44.dev20260713+nightly
codegen_flags: <defaults>
</compile_context>

<pallas_src>
import jax
import jax.numpy as jnp
from jax import lax
from jax.experimental import pallas as pl
from jax.experimental.pallas import tpu as pltpu
from jax.experimental.pallas import tpu_sc as plsc

_N = 8388608
_NB = 100000
_NBP = 100352
_NC = 2
_NS = 16
_NW = _NC * _NS
_PER_TILE = _N // _NW
_CH = 4096
_NCHUNK = _PER_TILE // _CH


def _sc_hist_body(inds_hbm, out_hbm, idx_a, idx_b, idx_c, idx_d, idx_e,
                  hist, sem_a, sem_b, sem_c, sem_d, sem_e):
    cid = lax.axis_index("c")
    sid = lax.axis_index("s")
    wid = cid * _NS + sid
    base = wid * _PER_TILE

    zeros = jnp.zeros((16,), jnp.int32)
    ones = jnp.full((16,), 1, jnp.int32)

    def scatter_chunk(idx_ref):
        def body(r, carry):
            ivs = [idx_ref[pl.ds((r * 8 + k) * 16, 16)] for k in range(8)]
            for iv in ivs:
                plsc.addupdate_scatter(hist, [iv], ones)
            return carry
        lax.fori_loop(0, _CH // 128, body, 0, unroll=2)

    bufs = (idx_a, idx_b, idx_c, idx_d, idx_e)
    sems = (sem_a, sem_b, sem_c, sem_d, sem_e)
    nbuf = len(bufs)

    def issue(c):
        return pltpu.async_copy(
            inds_hbm.at[pl.ds(base + c * _CH, _CH)], bufs[c % nbuf],
            sems[c % nbuf])

    for c in range(nbuf - 1):
        issue(c)

    def zero_body(i, carry):
        hist[pl.ds(i * 16, 16)] = zeros
        return carry
    lax.fori_loop(0, _NBP // 16, zero_body, 0, unroll=8)

    ngroups = _NCHUNK // nbuf
    ntail = _NCHUNK - ngroups * nbuf

    def group_body(g, carry):
        for j in range(nbuf):
            c = g * nbuf + j
            jp = (j + nbuf - 1) % nbuf

            @pl.when(c + nbuf - 1 < _NCHUNK)
            def _prefetch():
                pltpu.async_copy(
                    inds_hbm.at[pl.ds(base + (c + nbuf - 1) * _CH, _CH)],
                    bufs[jp], sems[jp])

            pltpu.make_async_copy(
                inds_hbm.at[pl.ds(base, _CH)], bufs[j], sems[j]).wait()
            scatter_chunk(bufs[j])
        return carry
    lax.fori_loop(0, ngroups, group_body, 0, unroll=1)

    for c in range(ngroups * nbuf, _NCHUNK):
        j = c % nbuf
        pltpu.make_async_copy(
            inds_hbm.at[pl.ds(base, _CH)], bufs[j], sems[j]).wait()
        scatter_chunk(bufs[j])

    pltpu.sync_copy(hist, out_hbm.at[pl.ds(wid * _NBP, _NBP)])


_sc_hist = pl.kernel(
    _sc_hist_body,
    out_type=jax.ShapeDtypeStruct((_NW * _NBP,), jnp.int32),
    mesh=plsc.VectorSubcoreMesh(core_axis_name="c", subcore_axis_name="s"),
    scratch_types=[
        pltpu.VMEM((_CH,), jnp.int32),
        pltpu.VMEM((_CH,), jnp.int32),
        pltpu.VMEM((_CH,), jnp.int32),
        pltpu.VMEM((_CH,), jnp.int32),
        pltpu.VMEM((_CH,), jnp.int32),
        pltpu.VMEM((_NBP,), jnp.int32),
        pltpu.SemaphoreType.DMA,
        pltpu.SemaphoreType.DMA,
        pltpu.SemaphoreType.DMA,
        pltpu.SemaphoreType.DMA,
        pltpu.SemaphoreType.DMA,
    ],
    compiler_params=pltpu.CompilerParams(needs_layout_passes=False, skip_device_barrier=True),
)


def _tc_merge_body(h_ref, cnt_ref, lim_ref, s_ref, ss_ref):
    h = jnp.sum(h_ref[...], axis=0)
    r = lax.broadcasted_iota(jnp.int32, (_NBP // 128, 128), 0)
    c = lax.broadcasted_iota(jnp.int32, (_NBP // 128, 128), 1)
    b = r * 128 + c
    cnt_ref[...] = h.reshape(-1)[:_NB]
    lim_ref[...] = b.reshape(-1)[:_NB + 1]
    s_ref[0, 0] = jnp.sum(h * b)
    ss_ref[0, 0] = jnp.sum(h * (b * b))


_tc_merge = pl.pallas_call(
    _tc_merge_body,
    out_shape=[
        jax.ShapeDtypeStruct((_NB,), jnp.int32),
        jax.ShapeDtypeStruct((_NB + 1,), jnp.int32),
        jax.ShapeDtypeStruct((1, 1), jnp.int32),
        jax.ShapeDtypeStruct((1, 1), jnp.int32),
    ],
    out_specs=[
        pl.BlockSpec(memory_space=pltpu.VMEM),
        pl.BlockSpec(memory_space=pltpu.VMEM),
        pl.BlockSpec(memory_space=pltpu.SMEM),
        pl.BlockSpec(memory_space=pltpu.SMEM),
    ],
)


def kernel(inds, num_bins):
    parts = _sc_hist(inds)
    h3 = parts.reshape(_NW, _NBP // 128, 128)
    counts, limits, s, ss = _tc_merge(h3)
    hist_min = jnp.asarray(0, jnp.int32)
    hist_max = jnp.asarray(num_bins - 1, jnp.int32)
    num = jnp.asarray(_N, jnp.int32)
    return (hist_min, hist_max, num, s[0, 0], ss[0, 0], limits, counts)

# --- scband reference (transcript-rebuilt; emitter-appended) ---
"""Pipeline reference for scband-index-count-histogram-30494267802271 (READ-ONLY COPY).

The authoritative reference and input builder live on the scoring server;
editing this copy changes nothing except your own understanding.
"""

import jax, jax.numpy as jnp
import numpy as np

_NUM_BINS = 100000


def setup_inputs(seed: int = 0) -> dict:
    key = jax.random.key(seed)
    N = 8388608
    num_bins = 100000
    inds = jax.random.randint(key, (N,), 0, num_bins, dtype=jnp.int32)
    return {"inds": inds, "num_bins": num_bins}


def reference(inds, num_bins):
    # IndexCountHistogram.init: scatter-add counts over `axis` (size num_bins),
    # plus summary statistics min/max/num/sum/sum_squares and bucket limits.
    counts = jnp.zeros((_NUM_BINS,), dtype=jnp.int32).at[inds].add(1)
    limits = jnp.arange(_NUM_BINS + 1, dtype=jnp.int32)
    hist_min = limits.min()
    hist_max = jnp.asarray(num_bins, dtype=jnp.int32) - 1
    num = jnp.array(inds.size, dtype=jnp.int32)
    s = jnp.sum(inds.astype(jnp.int64))
    ss = jnp.sum(inds.astype(jnp.int64) ** 2)
    return (hist_min, hist_max, num, s, ss, limits, counts)

if __name__ == "__main__":
    import jax
    _d = setup_inputs()
    print(jax.jit(kernel)(*tuple(_d.values())))

</pallas_src>

<mosaic_0001>
#map = affine_map<(d0, d1) -> (0)>
module attributes {stable_mosaic.version = 14 : i64} {
  func.func @_sc_hist_body(%arg0: i32, %arg1: i32, %arg2: memref<8388608xi32, #tpu.memory_space<hbm>>, %arg3: memref<3211264xi32, #tpu.memory_space<hbm>>, %arg4: memref<4096xi32, #tpu.memory_space<vmem>>, %arg5: memref<4096xi32, #tpu.memory_space<vmem>>, %arg6: memref<4096xi32, #tpu.memory_space<vmem>>, %arg7: memref<4096xi32, #tpu.memory_space<vmem>>, %arg8: memref<4096xi32, #tpu.memory_space<vmem>>, %arg9: memref<100352xi32, #tpu.memory_space<vmem>>, %arg10: memref<!tpu.dma_semaphore, #tpu.memory_space<semaphore_mem>>, %arg11: memref<!tpu.dma_semaphore, #tpu.memory_space<semaphore_mem>>, %arg12: memref<!tpu.dma_semaphore, #tpu.memory_space<semaphore_mem>>, %arg13: memref<!tpu.dma_semaphore, #tpu.memory_space<semaphore_mem>>, %arg14: memref<!tpu.dma_semaphore, #tpu.memory_space<semaphore_mem>>) attributes {dimension_semantics = [#tpu.dimension_semantics<core_parallel>, #tpu.dimension_semantics<subcore_parallel>], iteration_bounds = array<i64: 2, 16>, scalar_prefetch = 0 : i64, scratch_operands = 11 : i64, tpu.core_type = #tpu.core_type<sc_vector_subcore>, window_params = [{transform_indices = #map}, {transform_indices = #map}]} {
    %mul3A = arith.constant 16 : i32
    %mul3A_0 = arith.muli %arg0, %mul3A : i32
    %add3A = arith.addi %mul3A_0, %arg1 : i32
    %mul3A_1 = arith.constant 262144 : i32
    %mul3A_2 = arith.muli %add3A, %mul3A_1 : i32
    %broadcast_in_dim3A = arith.constant 0 : i32
    %broadcast_in_dim3A_3 = vector.broadcast %broadcast_in_dim3A : i32 to vector<16xi32>
    %broadcast_in_dim3A_4 = arith.constant 1 : i32
    %broadcast_in_dim3A_5 = vector.broadcast %broadcast_in_dim3A_4 : i32 to vector<16xi32>
    %add3A_6 = arith.constant 0 : i32
    %add3A_7 = arith.addi %mul3A_2, %add3A_6 : i32
    %dma_start3A = tpu.memref_slice %arg2[%add3A_7] : memref<8388608xi32, #tpu.memory_space<hbm>> -> memref<4096xi32, #tpu.memory_space<hbm>>
    %dma_start3A_8 = tpu.memref_slice %arg2[%add3A_7] : memref<8388608xi32, #tpu.memory_space<hbm>> -> memref<4096xi32, #tpu.memory_space<hbm>>
    tpu.enqueue_dma source(%dma_start3A_8 : memref<4096xi32, #tpu.memory_space<hbm>>) target(%arg4 : memref<4096xi32, #tpu.memory_space<vmem>>) target_semaphore(%arg10 : memref<!tpu.dma_semaphore, #tpu.memory_space<semaphore_mem>>)
    %add3A_9 = arith.constant 4096 : i32
    %add3A_10 = arith.addi %mul3A_2, %add3A_9 : i32
    %dma_start3A_11 = tpu.memref_slice %arg2[%add3A_10] : memref<8388608xi32, #tpu.memory_space<hbm>> -> memref<4096xi32, #tpu.memory_space<hbm>>
    %dma_start3A_12 = tpu.memref_slice %arg2[%add3A_10] : memref<8388608xi32, #tpu.memory_space<hbm>> -> memref<4096xi32, #tpu.memory_space<hbm>>
    tpu.enqueue_dma source(%dma_start3A_12 : memref<4096xi32, #tpu.memory_space<hbm>>) target(%arg5 : memref<4096xi32, #tpu.memory_space<vmem>>) target_semaphore(%arg11 : memref<!tpu.dma_semaphore, #tpu.memory_space<semaphore_mem>>)
    %add3A_13 = arith.constant 8192 : i32
    %add3A_14 = arith.addi %mul3A_2, %add3A_13 : i32
    %dma_start3A_15 = tpu.memref_slice %arg2[%add3A_14] : memref<8388608xi32, #tpu.memory_space<hbm>> -> memref<4096xi32, #tpu.memory_space<hbm>>
    %dma_start3A_16 = tpu.memref_slice %arg2[%add3A_14] : memref<8388608xi32, #tpu.memory_space<hbm>> -> memref<4096xi32, #tpu.memory_space<hbm>>
    tpu.enqueue_dma source(%dma_start3A_16 : memref<4096xi32, #tpu.memory_space<hbm>>) target(%arg6 : memref<4096xi32, #tpu.memory_space<vmem>>) target_semaphore(%arg12 : memref<!tpu.dma_semaphore, #tpu.memory_space<semaphore_mem>>)
    %add3A_17 = arith.constant 12288 : i32
    %add3A_18 = arith.addi %mul3A_2, %add3A_17 : i32
    %dma_start3A_19 = tpu.memref_slice %arg2[%add3A_18] : memref<8388608xi32, #tpu.memory_space<hbm>> -> memref<4096xi32, #tpu.memory_space<hbm>>
    %dma_start3A_20 = tpu.memref_slice %arg2[%add3A_18] : memref<8388608xi32, #tpu.memory_space<hbm>> -> memref<4096xi32, #tpu.memory_space<hbm>>
    tpu.enqueue_dma source(%dma_start3A_20 : memref<4096xi32, #tpu.memory_space<hbm>>) target(%arg7 : memref<4096xi32, #tpu.memory_space<vmem>>) target_semaphore(%arg13 : memref<!tpu.dma_semaphore, #tpu.memory_space<semaphore_mem>>)
    %scan3A = arith.constant 0 : i32
    %scan3A_21 = arith.constant 0 : i32
    %scan3A_22 = arith.constant 6272 : i32
    %scan3A_23 = arith.addi %scan3A_21, %scan3A_22 : i32
    %scan3A_24 = arith.constant 8 : i32
    scf.for %scan3A_65 = %scan3A_21 to %scan3A_23 step %scan3A_24  : i32 {
      %mul3A_66 = arith.constant 16 : i32
      %mul3A_67 = arith.muli %scan3A_65, %mul3A_66 : i32
      %swap3A = arith.index_cast %mul3A_67 : i32 to index
      %swap3A_68 = tpu.vector_load %arg9[%swap3A] {strides = array<i32>} : memref<100352xi32, #tpu.memory_space<vmem>>, vector<16xi32>,
      tpu.vector_store %arg9[%swap3A], %broadcast_in_dim3A_3 {strides = array<i32>} : memref<100352xi32, #tpu.memory_space<vmem>>, vector<16xi32>,
      %scan3A_69 = arith.constant 1 : i32
      %scan3A_70 = arith.addi %scan3A_65, %scan3A_69 : i32
      %mul3A_71 = arith.constant 16 : i32
      %mul3A_72 = arith.muli %scan3A_70, %mul3A_71 : i32
      %swap3A_73 = arith.index_cast %mul3A_72 : i32 to index
      %swap3A_74 = tpu.vector_load %arg9[%swap3A_73] {strides = array<i32>} : memref<100352xi32, #tpu.memory_space<vmem>>, vector<16xi32>,
      tpu.vector_store %arg9[%swap3A_73], %broadcast_in_dim3A_3 {strides = array<i32>} : memref<100352xi32, #tpu.memory_space<vmem>>, vector<16xi32>,
      %scan3A_75 = arith.constant 2 : i32
      %scan3A_76 = arith.addi %scan3A_65, %scan3A_75 : i32
      %mul3A_77 = arith.constant 16 : i32
      %mul3A_78 = arith.muli %scan3A_76, %mul3A_77 : i32
      %swap3A_79 = arith.index_cast %mul3A_78 : i32 to index
      %swap3A_80 = tpu.vector_load %arg9[%swap3A_79] {strides = array<i32>} : memref<100352xi32, #tpu.memory_space<vmem>>, vector<16xi32>,
      tpu.vector_store %arg9[%swap3A_79], %broadcast_in_dim3A_3 {strides = array<i32>} : memref<100352xi32, #tpu.memory_space<vmem>>, vector<16xi32>,
      %scan3A_81 = arith.constant 3 : i32
      %scan3A_82 = arith.addi %scan3A_65, %scan3A_81 : i32
      %mul3A_83 = arith.constant 16 : i32
      %mul3A_84 = arith.muli %scan3A_82, %mul3A_83 : i32
      %swap3A_85 = arith.index_cast %mul3A_84 : i32 to index
      %swap3A_86 = tpu.vector_load %arg9[%swap3A_85] {strides = array<i32>} : memref<100352xi32, #tpu.memory_space<vmem>>, vector<16xi32>,
      tpu.vector_store %arg9[%swap3A_85], %broadcast_in_dim3A_3 {strides = array<i32>} : memref<100352xi32, #tpu.memory_space<vmem>>, vector<16xi32>,
      %scan3A_87 = arith.constant 4 : i32
      %scan3A_88 = arith.addi %scan3A_65, %scan3A_87 : i32
      %mul3A_89 = arith.constant 16 : i32
      %mul3A_90 = arith.muli %scan3A_88, %mul3A_89 : i32
      %swap3A_91 = arith.index_cast %mul3A_90 : i32 to index
      %swap3A_92 = tpu.vector_load %arg9[%swap3A_91] {strides = array<i32>} : memref<100352xi32, #tpu.memory_space<vmem>>, vector<16xi32>,
      tpu.vector_store %arg9[%swap3A_91], %broadcast_in_dim3A_3 {strides = array<i32>} : memref<100352xi32, #tpu.memory_space<vmem>>, vector<16xi32>,
      %scan3A_93 = arith.constant 5 : i32
      %scan3A_94 = arith.addi %scan3A_65, %scan3A_93 : i32
      %mul3A_95 = arith.constant 16 : i32
      %mul3A_96 = arith.muli %scan3A_94, %mul3A_95 : i32
      %swap3A_97 = arith.index_cast %mul3A_96 : i32 to index
      %swap3A_98 = tpu.vector_load %arg9[%swap3A_97] {strides = array<i32>} : memref<100352xi32, #tpu.memory_space<vmem>>, vector<16xi32>,
      tpu.vector_store %arg9[%swap3A_97], %broadcast_in_dim3A_3 {strides = array<i32>} : memref<100352xi32, #tpu.memory_space<vmem>>, vector<16xi32>,
      %scan3A_99 = arith.constant 6 : i32
      %scan3A_100 = arith.addi %scan3A_65, %scan3A_99 : i32
      %mul3A_101 = arith.constant 16 : i32
      %mul3A_102 = arith.muli %scan3A_100, %mul3A_101 : i32
      %swap3A_103 = arith.index_cast %mul3A_102 : i32 to index
      %swap3A_104 = tpu.vector_load %arg9[%swap3A_103] {strides = array<i32>} : memref<100352xi32, #tpu.memory_space<vmem>>, vector<16xi32>,
      tpu.vector_store %arg9[%swap3A_103], %broadcast_in_dim3A_3 {strides = array<i32>} : memref<100352xi32, #tpu.memory_space<vmem>>, vector<16xi32>,
      %scan3A_105 = arith.constant 7 : i32
      %scan3A_106 = arith.addi %scan3A_65, %scan3A_105 : i32
      %mul3A_107 = arith.constant 16 : i32
      %mul3A_108 = arith.muli %scan3A_106, %mul3A_107 : i32
      %swap3A_109 = arith.index_cast %mul3A_108 : i32 to index
      %swap3A_110 = tpu.vector_load %arg9[%swap3A_109] {strides = array<i32>} : memref<100352xi32, #tpu.memory_space<vmem>>, vector<16xi32>,
      tpu.vector_store %arg9[%swap3A_109], %broadcast_in_dim3A_3 {strides = array<i32>} : memref<100352xi32, #tpu.memory_space<vmem>>, vector<16xi32>,
    }
    %scan3A_25 = arith.constant 6272 : i32
    %scan3A_26 = arith.constant 0 : i32
    %scan3A_27 = arith.constant 0 : i32
    %scan3A_28 = arith.constant 12 : i32
    %scan3A_29 = arith.addi %scan3A_27, %scan3A_28 : i32
    %scan3A_30 = arith.constant 1 : i32
    scf.for %scan3A_65 = %scan3A_27 to %scan3A_29 step %scan3A_30  : i32 {
      %mul3A_66 = arith.constant 5 : i32
      %mul3A_67 = arith.muli %scan3A_65, %mul3A_66 : i32
      %add3A_68 = arith.constant 0 : i32
      %add3A_69 = arith.addi %mul3A_67, %add3A_68 : i32
      %add3A_70 = arith.constant 5 : i32
      %add3A_71 = arith.addi %add3A_69, %add3A_70 : i32
      %sub3A = arith.constant 1 : i32
      %sub3A_72 = arith.subi %add3A_71, %sub3A : i32
      %lt3A = arith.constant 64 : i32
      %lt3A_73 = arith.cmpi slt, %sub3A_72, %lt3A : i32
      %convert_element_type3A = arith.extui %lt3A_73 : i1 to i32
      %cond3A = arith.constant 0 : i32
      %cond3A_74 = arith.cmpi ne, %convert_element_type3A, %cond3A : i32
      scf.if %cond3A_74 {
        %add3A_167 = arith.constant 5 : i32
        %add3A_168 = arith.addi %add3A_69, %add3A_167 : i32
        %sub3A_169 = arith.constant 1 : i32
        %sub3A_170 = arith.subi %add3A_168, %sub3A_169 : i32
        %mul3A_171 = arith.constant 4096 : i32
        %mul3A_172 = arith.muli %sub3A_170, %mul3A_171 : i32
        %add3A_173 = arith.addi %mul3A_2, %mul3A_172 : i32
        %dma_start3A_174 = tpu.memref_slice %arg2[%add3A_173] : memref<8388608xi32, #tpu.memory_space<hbm>> -> memref<4096xi32, #tpu.memory_space<hbm>>
        %dma_start3A_175 = tpu.memref_slice %arg2[%add3A_173] : memref<8388608xi32, #tpu.memory_space<hbm>> -> memref<4096xi32, #tpu.memory_space<hbm>>
        tpu.enqueue_dma source(%dma_start3A_175 : memref<4096xi32, #tpu.memory_space<hbm>>) target(%arg8 : memref<4096xi32, #tpu.memory_space<vmem>>) target_semaphore(%arg14 : memref<!tpu.dma_semaphore, #tpu.memory_space<semaphore_mem>>)
      } else {
      }
      %dma_wait3A_75 = tpu.memref_slice %arg2[%mul3A_2] : memref<8388608xi32, #tpu.memory_space<hbm>> -> memref<4096xi32, #tpu.memory_space<hbm>>
      %dma_wait3A_76 = tpu.memref_slice %arg2[%mul3A_2] : memref<8388608xi32, #tpu.memory_space<hbm>> -> memref<4096xi32, #tpu.memory_space<hbm>>
      tpu.wait_dma2 semaphore(%arg10 : memref<!tpu.dma_semaphore, #tpu.memory_space<semaphore_mem>>) src(%dma_wait3A_76 : memref<4096xi32, #tpu.memory_space<hbm>>) dst(%arg4 : memref<4096xi32, #tpu.memory_space<vmem>>)
      %scan3A_77 = arith.constant 0 : i32
      %scan3A_78 = arith.constant 0 : i32
      %scan3A_79 = arith.constant 32 : i32
      %scan3A_80 = arith.addi %scan3A_78, %scan3A_79 : i32
      %scan3A_81 = arith.constant 2 : i32
      scf.for %scan3A_167 = %scan3A_78 to %scan3A_80 step %scan3A_81  : i32 {
        %mul3A_168 = arith.constant 8 : i32
        %mul3A_169 = arith.muli %scan3A_167, %mul3A_168 : i32
        %add3A_170 = arith.constant 0 : i32
        %add3A_171 = arith.addi %mul3A_169, %add3A_170 : i32
        %mul3A_172 = arith.constant 16 : i32
        %mul3A_173 = arith.muli %add3A_171, %mul3A_172 : i32
        %get3A = arith.index_cast %mul3A_173 : i32 to index
        %get3A_174 = tpu.vector_load %arg4[%get3A] {strides = array<i32>} : memref<4096xi32, #tpu.memory_space<vmem>>, vector<16xi32>,
        %mul3A_175 = arith.constant 8 : i32
        %mul3A_176 = arith.muli %scan3A_167, %mul3A_175 : i32
        %add3A_177 = arith.constant 1 : i32
        %add3A_178 = arith.addi %mul3A_176, %add3A_177 : i32
        %mul3A_179 = arith.constant 16 : i32
        %mul3A_180 = arith.muli %add3A_178, %mul3A_179 : i32
        %get3A_181 = arith.index_cast %mul3A_180 : i32 to index
        %get3A_182 = tpu.vector_load %arg4[%get3A_181] {strides = array<i32>} : memref<4096xi32, #tpu.memory_space<vmem>>, vector<16xi32>,
        %mul3A_183 = arith.constant 8 : i32
        %mul3A_184 = arith.muli %scan3A_167, %mul3A_183 : i32
        %add3A_185 = arith.constant 2 : i32
        %add3A_186 = arith.addi %mul3A_184, %add3A_185 : i32
        %mul3A_187 = arith.constant 16 : i32
        %mul3A_188 = arith.muli %add3A_186, %mul3A_187 : i32
        %get3A_189 = arith.index_cast %mul3A_188 : i32 to index
        %get3A_190 = tpu.vector_load %arg4[%get3A_189] {strides = array<i32>} : memref<4096xi32, #tpu.memory_space<vmem>>, vector<16xi32>,
        %mul3A_191 = arith.constant 8 : i32
        %mul3A_192 = arith.muli %scan3A_167, %mul3A_191 : i32
        %add3A_193 = arith.constant 3 : i32
        %add3A_194 = arith.addi %mul3A_192, %add3A_193 : i32
        %mul3A_195 = arith.constant 16 : i32
        %mul3A_196 = arith.muli %add3A_194, %mul3A_195 : i32
        %get3A_197 = arith.index_cast %mul3A_196 : i32 to index
        %get3A_198 = tpu.vector_load %arg4[%get3A_197] {strides = array<i32>} : memref<4096xi32, #tpu.memory_space<vmem>>, vector<16xi32>,
        %mul3A_199 = arith.constant 8 : i32
        %mul3A_200 = arith.muli %scan3A_167, %mul3A_199 : i32
        %add3A_201 = arith.constant 4 : i32
        %add3A_202 = arith.addi %mul3A_200, %add3A_201 : i32
        %mul3A_203 = arith.constant 16 : i32
        %mul3A_204 = arith.muli %add3A_202, %mul3A_203 : i32
        %get3A_205 = arith.index_cast %mul3A_204 : i32 to index
        %get3A_206 = tpu.vector_load %arg4[%get3A_205] {strides = array<i32>} : memref<4096xi32, #tpu.memory_space<vmem>>, vector<16xi32>,
        %mul3A_207 = arith.constant 8 : i32
        %mul3A_208 = arith.muli %scan3A_167, %mul3A_207 : i32
        %add3A_209 = arith.constant 5 : i32
        %add3A_210 = arith.addi %mul3A_208, %add3A_209 : i32
        %mul3A_211 = arith.constant 16 : i32
        %mul3A_212 = arith.muli %add3A_210, %mul3A_211 : i32
        %get3A_213 = arith.index_cast %mul3A_212 : i32 to index
        %get3A_214 = tpu.vector_load %arg4[%get3A_213] {strides = array<i32>} : memref<4096xi32, #tpu.memory_space<vmem>>, vector<16xi32>,
        %mul3A_215 = arith.constant 8 : i32
        %mul3A_216 = arith.muli %scan3A_167, %mul3A_215 : i32
        %add3A_217 = arith.constant 6 : i32
        %add3A_218 = arith.addi %mul3A_216, %add3A_217 : i32
        %mul3A_219 = arith.constant 16 : i32
        %mul3A_220 = arith.muli %add3A_218, %mul3A_219 : i32
        %get3A_221 = arith.index_cast %mul3A_220 : i32 to index
        %get3A_222 = tpu.vector_load %arg4[%get3A_221] {strides = array<i32>} : memref<4096xi32, #tpu.memory_space<vmem>>, vector<16xi32>,
        %mul3A_223 = arith.constant 8 : i32
        %mul3A_224 = arith.muli %scan3A_167, %mul3A_223 : i32
        %add3A_225 = arith.constant 7 : i32
        %add3A_226 = arith.addi %mul3A_224, %add3A_225 : i32
        %mul3A_227 = arith.constant 16 : i32
        %mul3A_228 = arith.muli %add3A_226, %mul3A_227 : i32
        %get3A_229 = arith.index_cast %mul3A_228 : i32 to index
        %get3A_230 = tpu.vector_load %arg4[%get3A_229] {strides = array<i32>} : memref<4096xi32, #tpu.memory_space<vmem>>, vector<16xi32>,
        tpu.vector_store_idx %arg9[%get3A_174], %broadcast_in_dim3A_5 {add = true} : memref<100352xi32, #tpu.memory_space<vmem>>[vector<16xi32>], vector<16xi32>,
        tpu.vector_store_idx %arg9[%get3A_182], %broadcast_in_dim3A_5 {add = true} : memref<100352xi32, #tpu.memory_space<vmem>>[vector<16xi32>], vector<16xi32>,
        tpu.vector_store_idx %arg9[%get3A_190], %broadcast_in_dim3A_5 {add = true} : memref<100352xi32, #tpu.memory_space<vmem>>[vector<16xi32>], vector<16xi32>,
        tpu.vector_store_idx %arg9[%get3A_198], %broadcast_in_dim3A_5 {add = true} : memref<100352xi32, #tpu.memory_space<vmem>>[vector<16xi32>], vector<16xi32>,
        tpu.vector_store_idx %arg9[%get3A_206], %broadcast_in_dim3A_5 {add = true} : memref<100352xi32, #tpu.memory_space<vmem>>[vector<16xi32>], vector<16xi32>,
        tpu.vector_store_idx %arg9[%get3A_214], %broadcast_in_dim3A_5 {add = true} : memref<100352xi32, #tpu.memory_space<vmem>>[vector<16xi32>], vector<16xi32>,
        tpu.vector_store_idx %arg9[%get3A_222], %broadcast_in_dim3A_5 {add = true} : memref<100352xi32, #tpu.memory_space<vmem>>[vector<16xi32>], vector<16xi32>,
        tpu.vector_store_idx %arg9[%get3A_230], %broadcast_in_dim3A_5 {add = true} : memref<100352xi32, #tpu.memory_space<vmem>>[vector<16xi32>], vector<16xi32>,
        %scan3A_231 = arith.constant 1 : i32
        %scan3A_232 = arith.addi %scan3A_167, %scan3A_231 : i32
        %mul3A_233 = arith.constant 8 : i32
        %mul3A_234 = arith.muli %scan3A_232, %mul3A_233 : i32
        %add3A_235 = arith.constant 0 : i32
        %add3A_236 = arith.addi %mul3A_234, %add3A_235 : i32
        %mul3A_237 = arith.constant 16 : i32
        %mul3A_238 = arith.muli %add3A_236, %mul3A_237 : i32
        %get3A_239 = arith.index_cast %mul3A_238 : i32 to index
        %get3A_240 = tpu.vector_load %arg4[%get3A_239] {strides = array<i32>} : memref<4096xi32, #tpu.memory_space<vmem>>, vector<16xi32>,
        %mul3A_241 = arith.constant 8 : i32
        %mul3A_242 = arith.muli %scan3A_232, %mul3A_241 : i32
        %add3A_243 = arith.constant 1 : i32
        %add3A_244 = arith.addi %mul3A_242, %add3A_243 : i32
        %mul3A_245 = arith.constant 16 : i32
        %mul3A_246 = arith.muli %add3A_244, %mul3A_245 : i32
        %get3A_247 = arith.index_cast %mul3A_246 : i32 to index
        %get3A_248 = tpu.vector_load %arg4[%get3A_247] {strides = array<i32>} : memref<4096xi32, #tpu.memory_space<vmem>>, vector<16xi32>,
        %mul3A_249 = arith.constant 8 : i32
        %mul3A_250 = arith.muli %scan3A_232, %mul3A_249 : i32
        %add3A_251 = arith.constant 2 : i32
        %add3A_252 = arith.addi %mul3A_250, %add3A_251 : i32
        %mul3A_253 = arith.constant 16 : i32
        %mul3A_254 = arith.muli %add3A_252, %mul3A_253 : i32
        %get3A_255 = arith.index_cast %mul3A_254 : i32 to index
        %get3A_256 = tpu.vector_load %arg4[%get3A_255] {strides = array<i32>} : memref<4096xi32, #tpu.memory_space<vmem>>, vector<16xi32>,
        %mul3A_257 = arith.constant 8 : i32
        %mul3A_258 = arith.muli %scan3A_232, %mul3A_257 : i32
        %add3A_259 = arith.constant 3 : i32
        %add3A_260 = arith.addi %mul3A_258, %add3A_259 : i32
        %mul3A_261 = arith.constant 16 : i32
        %mul3A_262 = arith.muli %add3A_260, %mul3A_261 : i32
        %get3A_263 = arith.index_cast %mul3A_262 : i32 to index
        %get3A_264 = tpu.vector_load %arg4[%get3A_263] {strides = array<i32>} : memref<4096xi32, #tpu.memory_space<vmem>>, vector<16xi32>,
        %mul3A_265 = arith.constant 8 : i32
        %mul3A_266 = arith.muli %scan3A_232, %mul3A_265 : i32
        %add3A_267 = arith.constant 4 : i32
        %add3A_268 = arith.addi %mul3A_266, %add3A_267 : i32
        %mul3A_269 = arith.constant 16 : i32
        %mul3A_270 = arith.muli %add3A_268, %mul3A_269 : i32
        %get3A_271 = arith.index_cast %mul3A_270 : i32 to index
        %get3A_272 = tpu.vector_load %arg4[%get3A_271] {strides = array<i32>} : memref<4096xi32, #tpu.memory_space<vmem>>, vector<16xi32>,
        %mul3A_273 = arith.constant 8 : i32
        %mul3A_274 = arith.muli %scan3A_232, %mul3A_273 : i32
        %add3A_275 = arith.constant 5 : i32
        %add3A_276 = arith.addi %mul3A_274, %add3A_275 : i32
        %mul3A_277 = arith.constant 16 : i32
        %mul3A_278 = arith.muli %add3A_276, %mul3A_277 : i32
        %get3A_279 = arith.index_cast %mul3A_278 : i32 to index
        %get3A_280 = tpu.vector_load %arg4[%get3A_279] {strides = array<i32>} : memref<4096xi32, #tpu.memory_space<vmem>>, vector<16xi32>,
        %mul3A_281 = arith.constant 8 : i32
        %mul3A_282 = arith.muli %scan3A_232, %mul3A_281 : i32
        %add3A_283 = arith.constant 6 : i32
        %add3A_284 = arith.addi %mul3A_282, %add3A_283 : i32
        %mul3A_285 = arith.constant 16 : i32
        %mul3A_286 = arith.muli %add3A_284, %mul3A_285 : i32
        %get3A_287 = arith.index_cast %mul3A_286 : i32 to index
        %get3A_288 = tpu.vector_load %arg4[%get3A_287] {strides = array<i32>} : memref<4096xi32, #tpu.memory_space<vmem>>, vector<16xi32>,
        %mul3A_289 = arith.constant 8 : i32
        %mul3A_290 = arith.muli %scan3A_232, %mul3A_289 : i32
        %add3A_291 = arith.constant 7 : i32
        %add3A_292 = arith.addi %mul3A_290, %add3A_291 : i32
        %mul3A_293 = arith.constant 16 : i32
        %mul3A_294 = arith.muli %add3A_292, %mul3A_293 : i32
        %get3A_295 = arith.index_cast %mul3A_294 : i32 to index
        %get3A_296 = tpu.vector_load %arg4[%get3A_295] {strides = array<i32>} : memref<4096xi32, #tpu.memory_space<vmem>>, vector<16xi32>,
        tpu.vector_store_idx %arg9[%get3A_240], %broadcast_in_dim3A_5 {add = true} : memref<100352xi32, #tpu.memory_space<vmem>>[vector<16xi32>], vector<16xi32>,
        tpu.vector_store_idx %arg9[%get3A_248], %broadcast_in_dim3A_5 {add = true} : memref<100352xi32, #tpu.memory_space<vmem>>[vector<16xi32>], vector<16xi32>,
        tpu.vector_store_idx %arg9[%get3A_256], %broadcast_in_dim3A_5 {add = true} : memref<100352xi32, #tpu.memory_space<vmem>>[vector<16xi32>], vector<16xi32>,
        tpu.vector_store_idx %arg9[%get3A_264], %broadcast_in_dim3A_5 {add = true} : memref<100352xi32, #tpu.memory_space<vmem>>[vector<16xi32>], vector<16xi32>,
        tpu.vector_store_idx %arg9[%get3A_272], %broadcast_in_dim3A_5 {add = true} : memref<100352xi32, #tpu.memory_space<vmem>>[vector<16xi32>], vector<16xi32>,
        tpu.vector_store_idx %arg9[%get3A_280], %broadcast_in_dim3A_5 {add = true} : memref<100352xi32, #tpu.memory_space<vmem>>[vector<16xi32>], vector<16xi32>,
        tpu.vector_store_idx %arg9[%get3A_288], %broadcast_in_dim3A_5 {add = true} : memref<100352xi32, #tpu.memory_space<vmem>>[vector<16xi32>], vector<16xi32>,
        tpu.vector_store_idx %arg9[%get3A_296], %broadcast_in_dim3A_5 {add = true} : memref<100352xi32, #tpu.memory_space<vmem>>[vector<16xi32>], vector<16xi32>,
      }
      %scan3A_82 = arith.constant 32 : i32
      %mul3A_83 = arith.constant 5 : i32
      %mul3A_84 = arith.muli %scan3A_65, %mul3A_83 : i32
      %add3A_85 = arith.constant 1 : i32
      %add3A_86 = arith.addi %mul3A_84, %add3A_85 : i32
      %add3A_87 = arith.constant 5 : i32
      %add3A_88 = arith.addi %add3A_86, %add3A_87 : i32
      %sub3A_89 = arith.constant 1 : i32
      %sub3A_90 = arith.subi %add3A_88, %sub3A_89 : i32
      %lt3A_91 = arith.constant 64 : i32
      %lt3A_92 = arith.cmpi slt, %sub3A_90, %lt3A_91 : i32
      %convert_element_type3A_93 = arith.extui %lt3A_92 : i1 to i32
      %cond3A_94 = arith.constant 0 : i32
      %cond3A_95 = arith.cmpi ne, %convert_element_type3A_93, %cond3A_94 : i32
      scf.if %cond3A_95 {
        %add3A_167 = arith.constant 5 : i32
        %add3A_168 = arith.addi %add3A_86, %add3A_167 : i32
        %sub3A_169 = arith.constant 1 : i32
        %sub3A_170 = arith.subi %add3A_168, %sub3A_169 : i32
        %mul3A_171 = arith.constant 4096 : i32
        %mul3A_172 = arith.muli %sub3A_170, %mul3A_171 : i32
        %add3A_173 = arith.addi %mul3A_2, %mul3A_172 : i32
        %dma_start3A_174 = tpu.memref_slice %arg2[%add3A_173] : memref<8388608xi32, #tpu.memory_space<hbm>> -> memref<4096xi32, #tpu.memory_space<hbm>>
        %dma_start3A_175 = tpu.memref_slice %arg2[%add3A_173] : memref<8388608xi32, #tpu.memory_space<hbm>> -> memref<4096xi32, #tpu.memory_space<hbm>>
        tpu.enqueue_dma source(%dma_start3A_175 : memref<4096xi32, #tpu.memory_space<hbm>>) target(%arg4 : memref<4096xi32, #tpu.memory_space<vmem>>) target_semaphore(%arg10 : memref<!tpu.dma_semaphore, #tpu.memory_space<semaphore_mem>>)
      } else {
      }
      %dma_wait3A_96 = tpu.memref_slice %arg2[%mul3A_2] : memref<8388608xi32, #tpu.memory_space<hbm>> -> memref<4096xi32, #tpu.memory_space<hbm>>
      %dma_wait3A_97 = tpu.memref_slice %arg2[%mul3A_2] : memref<8388608xi32, #tpu.memory_space<hbm>> -> memref<4096xi32, #tpu.memory_space<hbm>>
      tpu.wait_dma2 semaphore(%arg11 : memref<!tpu.dma_semaphore, #tpu.memory_space<semaphore_mem>>) src(%dma_wait3A_97 : memref<4096xi32, #tpu.memory_space<hbm>>) dst(%arg5 : memref<4096xi32, #tpu.memory_space<vmem>>)
      %scan3A_98 = arith.constant 0 : i32
      %scan3A_99 = arith.constant 0 : i32
      %scan3A_100 = arith.constant 32 : i32
      %scan3A_101 = arith.addi %scan3A_99, %scan3A_100 : i32
      %scan3A_102 = arith.constant 2 : i32
      scf.for %scan3A_167 = %scan3A_99 to %scan3A_101 step %scan3A_102  : i32 {
        %mul3A_168 = arith.constant 8 : i32
        %mul3A_169 = arith.muli %scan3A_167, %mul3A_168 : i32
        %add3A_170 = arith.constant 0 : i32
        %add3A_171 = arith.addi %mul3A_169, %add3A_170 : i32
        %mul3A_172 = arith.constant 16 : i32
        %mul3A_173 = arith.muli %add3A_171, %mul3A_172 : i32
        %get3A = arith.index_cast %mul3A_173 : i32 to index
        %get3A_174 = tpu.vector_load %arg5[%get3A] {strides = array<i32>} : memref<4096xi32, #tpu.memory_space<vmem>>, vector<16xi32>,
        %mul3A_175 = arith.constant 8 : i32
        %mul3A_176 = arith.muli %scan3A_167, %mul3A_175 : i32
        %add3A_177 = arith.constant 1 : i32
        %add3A_178 = arith.addi %mul3A_176, %add3A_177 : i32
        %mul3A_179 = arith.constant 16 : i32
        %mul3A_180 = arith.muli %add3A_178, %mul3A_179 : i32
        %get3A_181 = arith.index_cast %mul3A_180 : i32 to index
        %get3A_182 = tpu.vector_load %arg5[%get3A_181] {strides = array<i32>} : memref<4096xi32, #tpu.memory_space<vmem>>, vector<16xi32>,
        %mul3A_183 = arith.constant 8 : i32
        %mul3A_184 = arith.muli %scan3A_167, %mul3A_183 : i32
        %add3A_185 = arith.constant 2 : i32
        %add3A_186 = arith.addi %mul3A_184, %add3A_185 : i32
        %mul3A_187 = arith.constant 16 : i32
        %mul3A_188 = arith.muli %add3A_186, %mul3A_187 : i32
        %get3A_189 = arith.index_cast %mul3A_188 : i32 to index
        %get3A_190 = tpu.vector_load %arg5[%get3A_189] {strides = array<i32>} : memref<4096xi32, #tpu.memory_space<vmem>>, vector<16xi32>,
        %mul3A_191 = arith.constant 8 : i32
        %mul3A_192 = arith.muli %scan3A_167, %mul3A_191 : i32
        %add3A_193 = arith.constant 3 : i32
        %add3A_194 = arith.addi %mul3A_192, %add3A_193 : i32
        %mul3A_195 = arith.constant 16 : i32
        %mul3A_196 = arith.muli %add3A_194, %mul3A_195 : i32
        %get3A_197 = arith.index_cast %mul3A_196 : i32 to index
        %get3A_198 = tpu.vector_load %arg5[%get3A_197] {strides = array<i32>} : memref<4096xi32, #tpu.memory_space<vmem>>, vector<16xi32>,
        %mul3A_199 = arith.constant 8 : i32
        %mul3A_200 = arith.muli %scan3A_167, %mul3A_199 : i32
        %add3A_201 = arith.constant 4 : i32
        %add3A_202 = arith.addi %mul3A_200, %add3A_201 : i32
        %mul3A_203 = arith.constant 16 : i32
        %mul3A_204 = arith.muli %add3A_202, %mul3A_203 : i32
        %get3A_205 = arith.index_cast %mul3A_204 : i32 to index
        %get3A_206 = tpu.vector_load %arg5[%get3A_205] {strides = array<i32>} : memref<4096xi32, #tpu.memory_space<vmem>>, vector<16xi32>,
        %mul3A_207 = arith.constant 8 : i32
        %mul3A_208 = arith.muli %scan3A_167, %mul3A_207 : i32
        %add3A_209 = arith.constant 5 : i32
        %add3A_210 = arith.addi %mul3A_208, %add3A_209 : i32
        %mul3A_211 = arith.constant 16 : i32
        %mul3A_212 = arith.muli %add3A_210, %mul3A_211 : i32
        %get3A_213 = arith.index_cast %mul3A_212 : i32 to index
        %get3A_214 = tpu.vector_load %arg5[%get3A_213] {strides = array<i32>} : memref<4096xi32, #tpu.memory_space<vmem>>, vector<16xi32>,
        %mul3A_215 = arith.constant 8 : i32
        %mul3A_216 = arith.muli %scan3A_167, %mul3A_215 : i32
        %add3A_217 = arith.constant 6 : i32
        %add3A_218 = arith.addi %mul3A_216, %add3A_217 : i32
        %mul3A_219 = arith.constant 16 : i32
        %mul3A_220 = arith.muli %add3A_218, %mul3A_219 : i32
        %get3A_221 = arith.index_cast %mul3A_220 : i32 to index
        %get3A_222 = tpu.vector_load %arg5[%get3A_221] {strides = array<i32>} : memref<4096xi32, #tpu.memory_space<vmem>>, vector<16xi32>,
        %mul3A_223 = arith.constant 8 : i32
        %mul3A_224 = arith.muli %scan3A_167, %mul3A_223 : i32
        %add3A_225 = arith.constant 7 : i32
        %add3A_226 = arith.addi %mul3A_224, %add3A_225 : i32
        %mul3A_227 = arith.constant 16 : i32
        %mul3A_228 = arith.muli %add3A_226, %mul3A_227 : i32
        %get3A_229 = arith.index_cast %mul3A_228 : i32 to index
        %get3A_230 = tpu.vector_load %arg5[%get3A_229] {strides = array<i32>} : memref<4096xi32, #tpu.memory_space<vmem>>, vector<16xi32>,
        tpu.vector_store_idx %arg9[%get3A_174], %broadcast_in_dim3A_5 {add = true} : memref<100352xi32, #tpu.memory_space<vmem>>[vector<16xi32>], vector<16xi32>,
        tpu.vector_store_idx %arg9[%get3A_182], %broadcast_in_dim3A_5 {add = true} : memref<100352xi32, #tpu.memory_space<vmem>>[vector<16xi32>], vector<16xi32>,
        tpu.vector_store_idx %arg9[%get3A_190], %broadcast_in_dim3A_5 {add = true} : memref<100352xi32, #tpu.memory_space<vmem>>[vector<16xi32>], vector<16xi32>,
        tpu.vector_store_idx %arg9[%get3A_198], %broadcast_in_dim3A_5 {add = true} : memref<100352xi32, #tpu.memory_space<vmem>>[vector<16xi32>], vector<16xi32>,
        tpu.vector_store_idx %arg9[%get3A_206], %broadcast_in_dim3A_5 {add = true} : memref<100352xi32, #tpu.memory_space<vmem>>[vector<16xi32>], vector<16xi32>,
        tpu.vector_store_idx %arg9[%get3A_214], %broadcast_in_dim3A_5 {add = true} : memref<100352xi32, #tpu.memory_space<vmem>>[vector<16xi32>], vector<16xi32>,
        tpu.vector_store_idx %arg9[%get3A_222], %broadcast_in_dim3A_5 {add = true} : memref<100352xi32, #tpu.memory_space<vmem>>[vector<16xi32>], vector<16xi32>,
        tpu.vector_store_idx %arg9[%get3A_230], %broadcast_in_dim3A_5 {add = true} : memref<100352xi32, #tpu.memory_space<vmem>>[vector<16xi32>], vector<16xi32>,
        %scan3A_231 = arith.constant 1 : i32
        %scan3A_232 = arith.addi %scan3A_167, %scan3A_231 : i32
        %mul3A_233 = arith.constant 8 : i32
        %mul3A_234 = arith.muli %scan3A_232, %mul3A_233 : i32
        %add3A_235 = arith.constant 0 : i32
        %add3A_236 = arith.addi %mul3A_234, %add3A_235 : i32
        %mul3A_237 = arith.constant 16 : i32
        %mul3A_238 = arith.muli %add3A_236, %mul3A_237 : i32
        %get3A_239 = arith.index_cast %mul3A_238 : i32 to index
        %get3A_240 = tpu.vector_load %arg5[%get3A_239] {strides = array<i32>} : memref<4096xi32, #tpu.memory_space<vmem>>, vector<16xi32>,
        %mul3A_241 = arith.constant 8 : i32
        %mul3A_242 = arith.muli %scan3A_232, %mul3A_241 : i32
        %add3A_243 = arith.constant 1 : i32
        %add3A_244 = arith.addi %mul3A_242, %add3A_243 : i32
        %mul3A_245 = arith.constant 16 : i32
        %mul3A_246 = arith.muli %add3A_244, %mul3A_245 : i32
        %get3A_247 = arith.index_cast %mul3A_246 : i32 to index
        %get3A_248 = tpu.vector_load %arg5[%get3A_247] {strides = array<i32>} : memref<4096xi32, #tpu.memory_space<vmem>>, vector<16xi32>,
        %mul3A_249 = arith.constant 8 : i32
        %mul3A_250 = arith.muli %scan3A_232, %mul3A_249 : i32
        %add3A_251 = arith.constant 2 : i32
        %add3A_252 = arith.addi %mul3A_250, %add3A_251 : i32
        %mul3A_253 = arith.constant 16 : i32
        %mul3A_254 = arith.muli %add3A_252, %mul3A_253 : i32
        %get3A_255 = arith.index_cast %mul3A_254 : i32 to index
        %get3A_256 = tpu.vector_load %arg5[%get3A_255] {strides = array<i32>} : memref<4096xi32, #tpu.memory_space<vmem>>, vector<16xi32>,
        %mul3A_257 = arith.constant 8 : i32
        %mul3A_258 = arith.muli %scan3A_232, %mul3A_257 : i32
        %add3A_259 = arith.constant 3 : i32
        %add3A_260 = arith.addi %mul3A_258, %add3A_259 : i32
        %mul3A_261 = arith.constant 16 : i32
        %mul3A_262 = arith.muli %add3A_260, %mul3A_261 : i32
        %get3A_263 = arith.index_cast %mul3A_262 : i32 to index
        %get3A_264 = tpu.vector_load %arg5[%get3A_263] {strides = array<i32>} : memref<4096xi32, #tpu.memory_space<vmem>>, vector<16xi32>,
        %mul3A_265 = arith.constant 8 : i32
        %mul3A_266 = arith.muli %scan3A_232, %mul3A_265 : i32
        %add3A_267 = arith.constant 4 : i32
        %add3A_268 = arith.addi %mul3A_266, %add3A_267 : i32
        %mul3A_269 = arith.constant 16 : i32
        %mul3A_270 = arith.muli %add3A_268, %mul3A_269 : i32
        %get3A_271 = arith.index_cast %mul3A_270 : i32 to index
        %get3A_272 = tpu.vector_load %arg5[%get3A_271] {strides = array<i32>} : memref<4096xi32, #tpu.memory_space<vmem>>, vector<16xi32>,
        %mul3A_273 = arith.constant 8 : i32
        %mul3A_274 = arith.muli %scan3A_232, %mul3A_273 : i32
        %add3A_275 = arith.constant 5 : i32
        %add3A_276 = arith.addi %mul3A_274, %add3A_275 : i32
        %mul3A_277 = arith.constant 16 : i32
        %mul3A_278 = arith.muli %add3A_276, %mul3A_277 : i32
        %get3A_279 = arith.index_cast %mul3A_278 : i32 to index
        %get3A_280 = tpu.vector_load %arg5[%get3A_279] {strides = array<i32>} : memref<4096xi32, #tpu.memory_space<vmem>>, vector<16xi32>,
        %mul3A_281 = arith.constant 8 : i32
        %mul3A_282 = arith.muli %scan3A_232, %mul3A_281 : i32
        %add3A_283 = arith.constant 6 : i32
        %add3A_284 = arith.addi %mul3A_282, %add3A_283 : i32
        %mul3A_285 = arith.constant 16 : i32
        %mul3A_286 = arith.muli %add3A_284, %mul3A_285 : i32
        %get3A_287 = arith.index_cast %mul3A_286 : i32 to index
        %get3A_288 = tpu.vector_load %arg5[%get3A_287] {strides = array<i32>} : memref<4096xi32, #tpu.memory_space<vmem>>, vector<16xi32>,
        %mul3A_289 = arith.constant 8 : i32
        %mul3A_290 = arith.muli %scan3A_232, %mul3A_289 : i32
        %add3A_291 = arith.constant 7 : i32
        %add3A_292 = arith.addi %mul3A_290, %add3A_291 : i32
        %mul3A_293 = arith.constant 16 : i32
        %mul3A_294 = arith.muli %add3A_292, %mul3A_293 : i32
        %get3A_295 = arith.index_cast %mul3A_294 : i32 to index
        %get3A_296 = tpu.vector_load %arg5[%get3A_295] {strides = array<i32>} : memref<4096xi32, #tpu.memory_space<vmem>>, vector<16xi32>,
        tpu.vector_store_idx %arg9[%get3A_240], %broadcast_in_dim3A_5 {add = true} : memref<100352xi32, #tpu.memory_space<vmem>>[vector<16xi32>], vector<16xi32>,
        tpu.vector_store_idx %arg9[%get3A_248], %broadcast_in_dim3A_5 {add = true} : memref<100352xi32, #tpu.memory_space<vmem>>[vector<16xi32>], vector<16xi32>,
        tpu.vector_store_idx %arg9[%get3A_256], %broadcast_in_dim3A_5 {add = true} : memref<100352xi32, #tpu.memory_space<vmem>>[vector<16xi32>], vector<16xi32>,
        tpu.vector_store_idx %arg9[%get3A_264], %broadcast_in_dim3A_5 {add = true} : memref<100352xi32, #tpu.memory_space<vmem>>[vector<16xi32>], vector<16xi32>,
        tpu.vector_store_idx %arg9[%get3A_272], %broadcast_in_dim3A_5 {add = true} : memref<100352xi32, #tpu.memory_space<vmem>>[vector<16xi32>], vector<16xi32>,
        tpu.vector_store_idx %arg9[%get3A_280], %broadcast_in_dim3A_5 {add = true} : memref<100352xi32, #tpu.memory_space<vmem>>[vector<16xi32>], vector<16xi32>,
        tpu.vector_store_idx %arg9[%get3A_288], %broadcast_in_dim3A_5 {add = true} : memref<100352xi32, #tpu.memory_space<vmem>>[vector<16xi32>], vector<16xi32>,
        tpu.vector_store_idx %arg9[%get3A_296], %broadcast_in_dim3A_5 {add = true} : memref<100352xi32, #tpu.memory_space<vmem>>[vector<16xi32>], vector<16xi32>,
      }
      %scan3A_103 = arith.constant 32 : i32
      %mul3A_104 = arith.constant 5 : i32
      %mul3A_105 = arith.muli %scan3A_65, %mul3A_104 : i32
      %add3A_106 = arith.constant 2 : i32
      %add3A_107 = arith.addi %mul3A_105, %add3A_106 : i32
      %add3A_108 = arith.constant 5 : i32
      %add3A_109 = arith.addi %add3A_107, %add3A_108 : i32
      %sub3A_110 = arith.constant 1 : i32
      %sub3A_111 = arith.subi %add3A_109, %sub3A_110 : i32
      %lt3A_112 = arith.constant 64 : i32
      %lt3A_113 = arith.cmpi slt, %sub3A_111, %lt3A_112 : i32
      %convert_element_type3A_114 = arith.extui %lt3A_113 : i1 to i32
      %cond3A_115 = arith.constant 0 : i32
      %cond3A_116 = arith.cmpi ne, %convert_element_type3A_114, %cond3A_115 : i32
      scf.if %cond3A_116 {
        %add3A_167 = arith.constant 5 : i32
        %add3A_168 = arith.addi %add3A_107, %add3A_167 : i32
        %sub3A_169 = arith.constant 1 : i32
        %sub3A_170 = arith.subi %add3A_168, %sub3A_169 : i32
        %mul3A_171 = arith.constant 4096 : i32
        %mul3A_172 = arith.muli %sub3A_170, %mul3A_171 : i32
        %add3A_173 = arith.addi %mul3A_2, %mul3A_172 : i32
        %dma_start3A_174 = tpu.memref_slice %arg2[%add3A_173] : memref<8388608xi32, #tpu.memory_space<hbm>> -> memref<4096xi32, #tpu.memory_space<hbm>>
        %dma_start3A_175 = tpu.memref_slice %arg2[%add3A_173] : memref<8388608xi32, #tpu.memory_space<hbm>> -> memref<4096xi32, #tpu.memory_space<hbm>>
        tpu.enqueue_dma source(%dma_start3A_175 : memref<4096xi32, #tpu.memory_space<hbm>>) target(%arg5 : memref<4096xi32, #tpu.memory_space<vmem>>) target_semaphore(%arg11 : memref<!tpu.dma_semaphore, #tpu.memory_space<semaphore_mem>>)
      } else {
      }
      %dma_wait3A_117 = tpu.memref_slice %arg2[%mul3A_2] : memref<8388608xi32, #tpu.memory_space<hbm>> -> memref<4096xi32, #tpu.memory_space<hbm>>
      %dma_wait3A_118 = tpu.memref_slice %arg2[%mul3A_2] : memref<8388608xi32, #tpu.memory_space<hbm>> -> memref<4096xi32, #tpu.memory_space<hbm>>
      tpu.wait_dma2 semaphore(%arg12 : memref<!tpu.dma_semaphore, #tpu.memory_space<semaphore_mem>>) src(%dma_wait3A_118 : memref<4096xi32, #tpu.memory_space<hbm>>) dst(%arg6 : memref<4096xi32, #tpu.memory_space<vmem>>)
      %scan3A_119 = arith.constant 0 : i32
      %scan3A_120 = arith.constant 0 : i32
      %scan3A_121 = arith.constant 32 : i32
      %scan3A_122 = arith.addi %scan3A_120, %scan3A_121 : i32
      %scan3A_123 = arith.constant 2 : i32
      scf.for %scan3A_167 = %scan3A_120 to %scan3A_122 step %scan3A_123  : i32 {
        %mul3A_168 = arith.constant 8 : i32
        %mul3A_169 = arith.muli %scan3A_167, %mul3A_168 : i32
        %add3A_170 = arith.constant 0 : i32
        %add3A_171 = arith.addi %mul3A_169, %add3A_170 : i32
        %mul3A_172 = arith.constant 16 : i32
        %mul3A_173 = arith.muli %add3A_171, %mul3A_172 : i32
        %get3A = arith.index_cast %mul3A_173 : i32 to index
        %get3A_174 = tpu.vector_load %arg6[%get3A] {strides = array<i32>} : memref<4096xi32, #tpu.memory_space<vmem>>, vector<16xi32>,
        %mul3A_175 = arith.constant 8 : i32
        %mul3A_176 = arith.muli %scan3A_167, %mul3A_175 : i32
        %add3A_177 = arith.constant 1 : i32
        %add3A_178 = arith.addi %mul3A_176, %add3A_177 : i32
        %mul3A_179 = arith.constant 16 : i32
        %mul3A_180 = arith.muli %add3A_178, %mul3A_179 : i32
        %get3A_181 = arith.index_cast %mul3A_180 : i32 to index
        %get3A_182 = tpu.vector_load %arg6[%get3A_181] {strides = array<i32>} : memref<4096xi32, #tpu.memory_space<vmem>>, vector<16xi32>,
        %mul3A_183 = arith.constant 8 : i32
        %mul3A_184 = arith.muli %scan3A_167, %mul3A_183 : i32
        %add3A_185 = arith.constant 2 : i32
        %add3A_186 = arith.addi %mul3A_184, %add3A_185 : i32
        %mul3A_187 = arith.constant 16 : i32
        %mul3A_188 = arith.muli %add3A_186, %mul3A_187 : i32
        %get3A_189 = arith.index_cast %mul3A_188 : i32 to index
        %get3A_190 = tpu.vector_load %arg6[%get3A_189] {strides = array<i32>} : memref<4096xi32, #tpu.memory_space<vmem>>, vector<16xi32>,
        %mul3A_191 = arith.constant 8 : i32
        %mul3A_192 = arith.muli %scan3A_167, %mul3A_191 : i32
        %add3A_193 = arith.constant 3 : i32
        %add3A_194 = arith.addi %mul3A_192, %add3A_193 : i32
        %mul3A_195 = arith.constant 16 : i32
        %mul3A_196 = arith.muli %add3A_194, %mul3A_195 : i32
        %get3A_197 = arith.index_cast %mul3A_196 : i32 to index
        %get3A_198 = tpu.vector_load %arg6[%get3A_197] {strides = array<i32>} : memref<4096xi32, #tpu.memory_space<vmem>>, vector<16xi32>,
        %mul3A_199 = arith.constant 8 : i32
        %mul3A_200 = arith.muli %scan3A_167, %mul3A_199 : i32
        %add3A_201 = arith.constant 4 : i32
        %add3A_202 = arith.addi %mul3A_200, %add3A_201 : i32
        %mul3A_203 = arith.constant 16 : i32
        %mul3A_204 = arith.muli %add3A_202, %mul3A_203 : i32
        %get3A_205 = arith.index_cast %mul3A_204 : i32 to index
        %get3A_206 = tpu.vector_load %arg6[%get3A_205] {strides = array<i32>} : memref<4096xi32, #tpu.memory_space<vmem>>, vector<16xi32>,
        %mul3A_207 = arith.constant 8 : i32
        %mul3A_208 = arith.muli %scan3A_167, %mul3A_207 : i32
        %add3A_209 = arith.constant 5 : i32
        %add3A_210 = arith.addi %mul3A_208, %add3A_209 : i32
        %mul3A_211 = arith.constant 16 : i32
        %mul3A_212 = arith.muli %add3A_210, %mul3A_211 : i32
        %get3A_213 = arith.index_cast %mul3A_212 : i32 to index
        %get3A_214 = tpu.vector_load %arg6[%get3A_213] {strides = array<i32>} : memref<4096xi32, #tpu.memory_space<vmem>>, vector<16xi32>,
        %mul3A_215 = arith.constant 8 : i32
        %mul3A_216 = arith.muli %scan3A_167, %mul3A_215 : i32
        %add3A_217 = arith.constant 6 : i32
        %add3A_218 = arith.addi %mul3A_216, %add3A_217 : i32
        %mul3A_219 = arith.constant 16 : i32
        %mul3A_220 = arith.muli %add3A_218, %mul3A_219 : i32
        %get3A_221 = arith.index_cast %mul3A_220 : i32 to index
        %get3A_222 = tpu.vector_load %arg6[%get3A_221] {strides = array<i32>} : memref<4096xi32, #tpu.memory_space<vmem>>, vector<16xi32>,
        %mul3A_223 = arith.constant 8 : i32
        %mul3A_224 = arith.muli %scan3A_167, %mul3A_223 : i32
        %add3A_225 = arith.constant 7 : i32
        %add3A_226 = arith.addi %mul3A_224, %add3A_225 : i32
        %mul3A_227 = arith.constant 16 : i32
        %mul3A_228 = arith.muli %add3A_226, %mul3A_227 : i32
        %get3A_229 = arith.index_cast %mul3A_228 : i32 to index
        %get3A_230 = tpu.vector_load %arg6[%get3A_229] {strides = array<i32>} : memref<4096xi32, #tpu.memory_space<vmem>>, vector<16xi32>,
        tpu.vector_store_idx %arg9[%get3A_174], %broadcast_in_dim3A_5 {add = true} : memref<100352xi32, #tpu.memory_space<vmem>>[vector<16xi32>], vector<16xi32>,
        tpu.vector_store_idx %arg9[%get3A_182], %broadcast_in_dim3A_5 {add = true} : memref<100352xi32, #tpu.memory_space<vmem>>[vector<16xi32>], vector<16xi32>,
        tpu.vector_store_idx %arg9[%get3A_190], %broadcast_in_dim3A_5 {add = true} : memref<100352xi32, #tpu.memory_space<vmem>>[vector<16xi32>], vector<16xi32>,
        tpu.vector_store_idx %arg9[%get3A_198], %broadcast_in_dim3A_5 {add = true} : memref<100352xi32, #tpu.memory_space<vmem>>[vector<16xi32>], vector<16xi32>,
        tpu.vector_store_idx %arg9[%get3A_206], %broadcast_in_dim3A_5 {add = true} : memref<100352xi32, #tpu.memory_space<vmem>>[vector<16xi32>], vector<16xi32>,
        tpu.vector_store_idx %arg9[%get3A_214], %broadcast_in_dim3A_5 {add = true} : memref<100352xi32, #tpu.memory_space<vmem>>[vector<16xi32>], vector<16xi32>,
        tpu.vector_store_idx %arg9[%get3A_222], %broadcast_in_dim3A_5 {add = true} : memref<100352xi32, #tpu.memory_space<vmem>>[vector<16xi32>], vector<16xi32>,
        tpu.vector_store_idx %arg9[%get3A_230], %broadcast_in_dim3A_5 {add = true} : memref<100352xi32, #tpu.memory_space<vmem>>[vector<16xi32>], vector<16xi32>,
        %scan3A_231 = arith.constant 1 : i32
        %scan3A_232 = arith.addi %scan3A_167, %scan3A_231 : i32
        %mul3A_233 = arith.constant 8 : i32
        %mul3A_234 = arith.muli %scan3A_232, %mul3A_233 : i32
        %add3A_235 = arith.constant 0 : i32
        %add3A_236 = arith.addi %mul3A_234, %add3A_235 : i32
        %mul3A_237 = arith.constant 16 : i32
        %mul3A_238 = arith.muli %add3A_236, %mul3A_237 : i32
        %get3A_239 = arith.index_cast %mul3A_238 : i32 to index
        %get3A_240 = tpu.vector_load %arg6[%get3A_239] {strides = array<i32>} : memref<4096xi32, #tpu.memory_space<vmem>>, vector<16xi32>,
        %mul3A_241 = arith.constant 8 : i32
        %mul3A_242 = arith.muli %scan3A_232, %mul3A_241 : i32
        %add3A_243 = arith.constant 1 : i32
        %add3A_244 = arith.addi %mul3A_242, %add3A_243 : i32
        %mul3A_245 = arith.constant 16 : i32
        %mul3A_246 = arith.muli %add3A_244, %mul3A_245 : i32
        %get3A_247 = arith.index_cast %mul3A_246 : i32 to index
        %get3A_248 = tpu.vector_load %arg6[%get3A_247] {strides = array<i32>} : memref<4096xi32, #tpu.memory_space<vmem>>, vector<16xi32>,
        %mul3A_249 = arith.constant 8 : i32
        %mul3A_250 = arith.muli %scan3A_232, %mul3A_249 : i32
        %add3A_251 = arith.constant 2 : i32
        %add3A_252 = arith.addi %mul3A_250, %add3A_251 : i32
        %mul3A_253 = arith.constant 16 : i32
        %mul3A_254 = arith.muli %add3A_252, %mul3A_253 : i32
        %get3A_255 = arith.index_cast %mul3A_254 : i32 to index
        %get3A_256 = tpu.vector_load %arg6[%get3A_255] {strides = array<i32>} : memref<4096xi32, #tpu.memory_space<vmem>>, vector<16xi32>,
        %mul3A_257 = arith.constant 8 : i32
        %mul3A_258 = arith.muli %scan3A_232, %mul3A_257 : i32
        %add3A_259 = arith.constant 3 : i32
        %add3A_260 = arith.addi %mul3A_258, %add3A_259 : i32
        %mul3A_261 = arith.constant 16 : i32
        %mul3A_262 = arith.muli %add3A_260, %mul3A_261 : i32
        %get3A_263 = arith.index_cast %mul3A_262 : i32 to index
        %get3A_264 = tpu.vector_load %arg6[%get3A_263] {strides = array<i32>} : memref<4096xi32, #tpu.memory_space<vmem>>, vector<16xi32>,
        %mul3A_265 = arith.constant 8 : i32
        %mul3A_266 = arith.muli %scan3A_232, %mul3A_265 : i32
        %add3A_267 = arith.constant 4 : i32
        %add3A_268 = arith.addi %mul3A_266, %add3A_267 : i32
        %mul3A_269 = arith.constant 16 : i32
        %mul3A_270 = arith.muli %add3A_268, %mul3A_269 : i32
        %get3A_271 = arith.index_cast %mul3A_270 : i32 to index
        %get3A_272 = tpu.vector_load %arg6[%get3A_271] {strides = array<i32>} : memref<4096xi32, #tpu.memory_space<vmem>>, vector<16xi32>,
        %mul3A_273 = arith.constant 8 : i32
        %mul3A_274 = arith.muli %scan3A_232, %mul3A_273 : i32
        %add3A_275 = arith.constant 5 : i32
        %add3A_276 = arith.addi %mul3A_274, %add3A_275 : i32
        %mul3A_277 = arith.constant 16 : i32
        %mul3A_278 = arith.muli %add3A_276, %mul3A_277 : i32
        %get3A_279 = arith.index_cast %mul3A_278 : i32 to index
        %get3A_280 = tpu.vector_load %arg6[%get3A_279] {strides = array<i32>} : memref<4096xi32, #tpu.memory_space<vmem>>, vector<16xi32>,
        %mul3A_281 = arith.constant 8 : i32
        %mul3A_282 = arith.muli %scan3A_232, %mul3A_281 : i32
        %add3A_283 = arith.constant 6 : i32
        %add3A_284 = arith.addi %mul3A_282, %add3A_283 : i32
        %mul3A_285 = arith.constant 16 : i32
        %mul3A_286 = arith.muli %add3A_284, %mul3A_285 : i32
        %get3A_287 = arith.index_cast %mul3A_286 : i32 to index
        %get3A_288 = tpu.vector_load %arg6[%get3A_287] {strides = array<i32>} : memref<4096xi32, #tpu.memory_space<vmem>>, vector<16xi32>,
        %mul3A_289 = arith.constant 8 : i32
        %mul3A_290 = arith.muli %scan3A_232, %mul3A_289 : i32
        %add3A_291 = arith.constant 7 : i32
        %add3A_292 = arith.addi %mul3A_290, %add3A_291 : i32
        %mul3A_293 = arith.constant 16 : i32
        %mul3A_294 = arith.muli %add3A_292, %mul3A_293 : i32
        %get3A_295 = arith.index_cast %mul3A_294 : i32 to index
        %get3A_296 = tpu.vector_load %arg6[%get3A_295] {strides = array<i32>} : memref<4096xi32, #tpu.memory_space<vmem>>, vector<16xi32>,
        tpu.vector_store_idx %arg9[%get3A_240], %broadcast_in_dim3A_5 {add = true} : memref<100352xi32, #tpu.memory_space<vmem>>[vector<16xi32>], vector<16xi32>,
        tpu.vector_store_idx %arg9[%get3A_248], %broadcast_in_dim3A_5 {add = true} : memref<100352xi32, #tpu.memory_space<vmem>>[vector<16xi32>], vector<16xi32>,
        tpu.vector_store_idx %arg9[%get3A_256], %broadcast_in_dim3A_5 {add = true} : memref<100352xi32, #tpu.memory_space<vmem>>[vector<16xi32>], vector<16xi32>,
        tpu.vector_store_idx %arg9[%get3A_264], %broadcast_in_dim3A_5 {add = true} : memref<100352xi32, #tpu.memory_space<vmem>>[vector<16xi32>], vector<16xi32>,
        tpu.vector_store_idx %arg9[%get3A_272], %broadcast_in_dim3A_5 {add = true} : memref<100352xi32, #tpu.memory_space<vmem>>[vector<16xi32>], vector<16xi32>,
        tpu.vector_store_idx %arg9[%get3A_280], %broadcast_in_dim3A_5 {add = true} : memref<100352xi32, #tpu.memory_space<vmem>>[vector<16xi32>], vector<16xi32>,
        tpu.vector_store_idx %arg9[%get3A_288], %broadcast_in_dim3A_5 {add = true} : memref<100352xi32, #tpu.memory_space<vmem>>[vector<16xi32>], vector<16xi32>,
        tpu.vector_store_idx %arg9[%get3A_296], %broadcast_in_dim3A_5 {add = true} : memref<100352xi32, #tpu.memory_space<vmem>>[vector<16xi32>], vector<16xi32>,
      }
      %scan3A_124 = arith.constant 32 : i32
      %mul3A_125 = arith.constant 5 : i32
      %mul3A_126 = arith.muli %scan3A_65, %mul3A_125 : i32
      %add3A_127 = arith.constant 3 : i32
      %add3A_128 = arith.addi %mul3A_126, %add3A_127 : i32
      %add3A_129 = arith.constant 5 : i32
      %add3A_130 = arith.addi %add3A_128, %add3A_129 : i32
      %sub3A_131 = arith.constant 1 : i32
      %sub3A_132 = arith.subi %add3A_130, %sub3A_131 : i32
      %lt3A_133 = arith.constant 64 : i32
      %lt3A_134 = arith.cmpi slt, %sub3A_132, %lt3A_133 : i32
      %convert_element_type3A_135 = arith.extui %lt3A_134 : i1 to i32
      %cond3A_136 = arith.constant 0 : i32
      %cond3A_137 = arith.cmpi ne, %convert_element_type3A_135, %cond3A_136 : i32
      scf.if %cond3A_137 {
        %add3A_167 = arith.constant 5 : i32
        %add3A_168 = arith.addi %add3A_128, %add3A_167 : i32
        %sub3A_169 = arith.constant 1 : i32
        %sub3A_170 = arith.subi %add3A_168, %sub3A_169 : i32
        %mul3A_171 = arith.constant 4096 : i32
        %mul3A_172 = arith.muli %sub3A_170, %mul3A_171 : i32
        %add3A_173 = arith.addi %mul3A_2, %mul3A_172 : i32
        %dma_start3A_174 = tpu.memref_slice %arg2[%add3A_173] : memref<8388608xi32, #tpu.memory_space<hbm>> -> memref<4096xi32, #tpu.memory_space<hbm>>
        %dma_start3A_175 = tpu.memref_slice %arg2[%add3A_173] : memref<8388608xi32, #tpu.memory_space<hbm>> -> memref<4096xi32, #tpu.memory_space<hbm>>
        tpu.enqueue_dma source(%dma_start3A_175 : memref<4096xi32, #tpu.memory_space<hbm>>) target(%arg6 : memref<4096xi32, #tpu.memory_space<vmem>>) target_semaphore(%arg12 : memref<!tpu.dma_semaphore, #tpu.memory_space<semaphore_mem>>)
      } else {
      }
      %dma_wait3A_138 = tpu.memref_slice %arg2[%mul3A_2] : memref<8388608xi32, #tpu.memory_space<hbm>> -> memref<4096xi32, #tpu.memory_space<hbm>>
      %dma_wait3A_139 = tpu.memref_slice %arg2[%mul3A_2] : memref<8388608xi32, #tpu.memory_space<hbm>> -> memref<4096xi32, #tpu.memory_space<hbm>>
      tpu.wait_dma2 semaphore(%arg13 : memref<!tpu.dma_semaphore, #tpu.memory_space<semaphore_mem>>) src(%dma_wait3A_139 : memref<4096xi32, #tpu.memory_space<hbm>>) dst(%arg7 : memref<4096xi32, #tpu.memory_space<vmem>>)
      %scan3A_140 = arith.constant 0 : i32
      %scan3A_141 = arith.constant 0 : i32
      %scan3A_142 = arith.constant 32 : i32
      %scan3A_143 = arith.addi %scan3A_141, %scan3A_142 : i32
      %scan3A_144 = arith.constant 2 : i32
      scf.for %scan3A_167 = %scan3A_141 to %scan3A_143 step %scan3A_144  : i32 {
        %mul3A_168 = arith.constant 8 : i32
        %mul3A_169 = arith.muli %scan3A_167, %mul3A_168 : i32
        %add3A_170 = arith.constant 0 : i32
        %add3A_171 = arith.addi %mul3A_169, %add3A_170 : i32
        %mul3A_172 = arith.constant 16 : i32
        %mul3A_173 = arith.muli %add3A_171, %mul3A_172 : i32
        %get3A = arith.index_cast %mul3A_173 : i32 to index
        %get3A_174 = tpu.vector_load %arg7[%get3A] {strides = array<i32>} : memref<4096xi32, #tpu.memory_space<vmem>>, vector<16xi32>,
        %mul3A_175 = arith.constant 8 : i32
        %mul3A_176 = arith.muli %scan3A_167, %mul3A_175 : i32
        %add3A_177 = arith.constant 1 : i32
        %add3A_178 = arith.addi %mul3A_176, %add3A_177 : i32
        %mul3A_179 = arith.constant 16 : i32
        %mul3A_180 = arith.muli %add3A_178, %mul3A_179 : i32
        %get3A_181 = arith.index_cast %mul3A_180 : i32 to index
        %get3A_182 = tpu.vector_load %arg7[%get3A_181] {strides = array<i32>} : memref<4096xi32, #tpu.memory_space<vmem>>, vector<16xi32>,
        %mul3A_183 = arith.constant 8 : i32
        %mul3A_184 = arith.muli %scan3A_167, %mul3A_183 : i32
        %add3A_185 = arith.constant 2 : i32
        %add3A_186 = arith.addi %mul3A_184, %add3A_185 : i32
        %mul3A_187 = arith.constant 16 : i32
        %mul3A_188 = arith.muli %add3A_186, %mul3A_187 : i32
        %get3A_189 = arith.index_cast %mul3A_188 : i32 to index
        %get3A_190 = tpu.vector_load %arg7[%get3A_189] {strides = array<i32>} : memref<4096xi32, #tpu.memory_space<vmem>>, vector<16xi32>,
        %mul3A_191 = arith.constant 8 : i32
        %mul3A_192 = arith.muli %scan3A_167, %mul3A_191 : i32
        %add3A_193 = arith.constant 3 : i32
        %add3A_194 = arith.addi %mul3A_192, %add3A_193 : i32
        %mul3A_195 = arith.constant 16 : i32
        %mul3A_196 = arith.muli %add3A_194, %mul3A_195 : i32
        %get3A_197 = arith.index_cast %mul3A_196 : i32 to index
        %get3A_198 = tpu.vector_load %arg7[%get3A_197] {strides = array<i32>} : memref<4096xi32, #tpu.memory_space<vmem>>, vector<16xi32>,
        %mul3A_199 = arith.constant 8 : i32
        %mul3A_200 = arith.muli %scan3A_167, %mul3A_199 : i32
        %add3A_201 = arith.constant 4 : i32
        %add3A_202 = arith.addi %mul3A_200, %add3A_201 : i32
        %mul3A_203 = arith.constant 16 : i32
        %mul3A_204 = arith.muli %add3A_202, %mul3A_203 : i32
        %get3A_205 = arith.index_cast %mul3A_204 : i32 to index
        %get3A_206 = tpu.vector_load %arg7[%get3A_205] {strides = array<i32>} : memref<4096xi32, #tpu.memory_space<vmem>>, vector<16xi32>,
        %mul3A_207 = arith.constant 8 : i32
        %mul3A_208 = arith.muli %scan3A_167, %mul3A_207 : i32
        %add3A_209 = arith.constant 5 : i32
        %add3A_210 = arith.addi %mul3A_208, %add3A_209 : i32
        %mul3A_211 = arith.constant 16 : i32
        %mul3A_212 = arith.muli %add3A_210, %mul3A_211 : i32
        %get3A_213 = arith.index_cast %mul3A_212 : i32 to index
        %get3A_214 = tpu.vector_load %arg7[%get3A_213] {strides = array<i32>} : memref<4096xi32, #tpu.memory_space<vmem>>, vector<16xi32>,
        %mul3A_215 = arith.constant 8 : i32
        %mul3A_216 = arith.muli %scan3A_167, %mul3A_215 : i32
        %add3A_217 = arith.constant 6 : i32
        %add3A_218 = arith.addi %mul3A_216, %add3A_217 : i32
        %mul3A_219 = arith.constant 16 : i32
        %mul3A_220 = arith.muli %add3A_218, %mul3A_219 : i32
        %get3A_221 = arith.index_cast %mul3A_220 : i32 to index
        %get3A_222 = tpu.vector_load %arg7[%get3A_221] {strides = array<i32>} : memref<4096xi32, #tpu.memory_space<vmem>>, vector<16xi32>,
        %mul3A_223 = arith.constant 8 : i32
        %mul3A_224 = arith.muli %scan3A_167, %mul3A_223 : i32
        %add3A_225 = arith.constant 7 : i32
        %add3A_226 = arith.addi %mul3A_224, %add3A_225 : i32
        %mul3A_227 = arith.constant 16 : i32
        %mul3A_228 = arith.muli %add3A_226, %mul3A_227 : i32
        %get3A_229 = arith.index_cast %mul3A_228 : i32 to index
        %get3A_230 = tpu.vector_load %arg7[%get3A_229] {strides = array<i32>} : memref<4096xi32, #tpu.memory_space<vmem>>, vector<16xi32>,
        tpu.vector_store_idx %arg9[%get3A_174], %broadcast_in_dim3A_5 {add = true} : memref<100352xi32, #tpu.memory_space<vmem>>[vector<16xi32>], vector<16xi32>,
        tpu.vector_store_idx %arg9[%get3A_182], %broadcast_in_dim3A_5 {add = true} : memref<100352xi32, #tpu.memory_space<vmem>>[vector<16xi32>], vector<16xi32>,
        tpu.vector_store_idx %arg9[%get3A_190], %broadcast_in_dim3A_5 {add = true} : memref<100352xi32, #tpu.memory_space<vmem>>[vector<16xi32>], vector<16xi32>,
        tpu.vector_store_idx %arg9[%get3A_198], %broadcast_in_dim3A_5 {add = true} : memref<100352xi32, #tpu.memory_space<vmem>>[vector<16xi32>], vector<16xi32>,
        tpu.vector_store_idx %arg9[%get3A_206], %broadcast_in_dim3A_5 {add = true} : memref<100352xi32, #tpu.memory_space<vmem>>[vector<16xi32>], vector<16xi32>,
        tpu.vector_store_idx %arg9[%get3A_214], %broadcast_in_dim3A_5 {add = true} : memref<100352xi32, #tpu.memory_space<vmem>>[vector<16xi32>], vector<16xi32>,
        tpu.vector_store_idx %arg9[%get3A_222], %broadcast_in_dim3A_5 {add = true} : memref<100352xi32, #tpu.memory_space<vmem>>[vector<16xi32>], vector<16xi32>,
        tpu.vector_store_idx %arg9[%get3A_230], %broadcast_in_dim3A_5 {add = true} : memref<100352xi32, #tpu.memory_space<vmem>>[vector<16xi32>], vector<16xi32>,
        %scan3A_231 = arith.constant 1 : i32
        %scan3A_232 = arith.addi %scan3A_167, %scan3A_231 : i32
        %mul3A_233 = arith.constant 8 : i32
        %mul3A_234 = arith.muli %scan3A_232, %mul3A_233 : i32
        %add3A_235 = arith.constant 0 : i32
        %add3A_236 = arith.addi %mul3A_234, %add3A_235 : i32
        %mul3A_237 = arith.constant 16 : i32
        %mul3A_238 = arith.muli %add3A_236, %mul3A_237 : i32
        %get3A_239 = arith.index_cast %mul3A_238 : i32 to index
        %get3A_240 = tpu.vector_load %arg7[%get3A_239] {strides = array<i32>} : memref<4096xi32, #tpu.memory_space<vmem>>, vector<16xi32>,
        %mul3A_241 = arith.constant 8 : i32
        %mul3A_242 = arith.muli %scan3A_232, %mul3A_241 : i32
        %add3A_243 = arith.constant 1 : i32
        %add3A_244 = arith.addi %mul3A_242, %add3A_243 : i32
        %mul3A_245 = arith.constant 16 : i32
        %mul3A_246 = arith.muli %add3A_244, %mul3A_245 : i32
        %get3A_247 = arith.index_cast %mul3A_246 : i32 to index
        %get3A_248 = tpu.vector_load %arg7[%get3A_247] {strides = array<i32>} : memref<4096xi32, #tpu.memory_space<vmem>>, vector<16xi32>,
        %mul3A_249 = arith.constant 8 : i32
        %mul3A_250 = arith.muli %scan3A_232, %mul3A_249 : i32
        %add3A_251 = arith.constant 2 : i32
        %add3A_252 = arith.addi %mul3A_250, %add3A_251 : i32
        %mul3A_253 = arith.constant 16 : i32
        %mul3A_254 = arith.muli %add3A_252, %mul3A_253 : i32
        %get3A_255 = arith.index_cast %mul3A_254 : i32 to index
        %get3A_256 = tpu.vector_load %arg7[%get3A_255] {strides = array<i32>} : memref<4096xi32, #tpu.memory_space<vmem>>, vector<16xi32>,
        %mul3A_257 = arith.constant 8 : i32
        %mul3A_258 = arith.muli %scan3A_232, %mul3A_257 : i32
        %add3A_259 = arith.constant 3 : i32
        %add3A_260 = arith.addi %mul3A_258, %add3A_259 : i32
        %mul3A_261 = arith.constant 16 : i32
        %mul3A_262 = arith.muli %add3A_260, %mul3A_261 : i32
        %get3A_263 = arith.index_cast %mul3A_262 : i32 to index
        %get3A_264 = tpu.vector_load %arg7[%get3A_263] {strides = array<i32>} : memref<4096xi32, #tpu.memory_space<vmem>>, vector<16xi32>,
        %mul3A_265 = arith.constant 8 : i32
        %mul3A_266 = arith.muli %scan3A_232, %mul3A_265 : i32
        %add3A_267 = arith.constant 4 : i32
        %add3A_268 = arith.addi %mul3A_266, %add3A_267 : i32
        %mul3A_269 = arith.constant 16 : i32
        %mul3A_270 = arith.muli %add3A_268, %mul3A_269 : i32
        %get3A_271 = arith.index_cast %mul3A_270 : i32 to index
        %get3A_272 = tpu.vector_load %arg7[%get3A_271] {strides = array<i32>} : memref<4096xi32, #tpu.memory_space<vmem>>, vector<16xi32>,
        %mul3A_273 = arith.constant 8 : i32
        %mul3A_274 = arith.muli %scan3A_232, %mul3A_273 : i32
        %add3A_275 = arith.constant 5 : i32
        %add3A_276 = arith.addi %mul3A_274, %add3A_275 : i32
        %mul3A_277 = arith.constant 16 : i32
        %mul3A_278 = arith.muli %add3A_276, %mul3A_277 : i32
        %get3A_279 = arith.index_cast %mul3A_278 : i32 to index
        %get3A_280 = tpu.vector_load %arg7[%get3A_279] {strides = array<i32>} : memref<4096xi32, #tpu.memory_space<vmem>>, vector<16xi32>,
        %mul3A_281 = arith.constant 8 : i32
        %mul3A_282 = arith.muli %scan3A_232, %mul3A_281 : i32
        %add3A_283 = arith.constant 6 : i32
        %add3A_284 = arith.addi %mul3A_282, %add3A_283 : i32
        %mul3A_285 = arith.constant 16 : i32
        %mul3A_286 = arith.muli %add3A_284, %mul3A_285 : i32
        %get3A_287 = arith.index_cast %mul3A_286 : i32 to index
        %get3A_288 = tpu.vector_load %arg7[%get3A_287] {strides = array<i32>} : memref<4096xi32, #tpu.memory_space<vmem>>, vector<16xi32>,
        %mul3A_289 = arith.constant 8 : i32
        %mul3A_290 = arith.muli %scan3A_232, %mul3A_289 : i32
        %add3A_291 = arith.constant 7 : i32
        %add3A_292 = arith.addi %mul3A_290, %add3A_291 : i32
        %mul3A_293 = arith.constant 16 : i32
        %mul3A_294 = arith.muli %add3A_292, %mul3A_293 : i32
        %get3A_295 = arith.index_cast %mul3A_294 : i32 to index
        %get3A_296 = tpu.vector_load %arg7[%get3A_295] {strides = array<i32>} : memref<4096xi32, #tpu.memory_space<vmem>>, vector<16xi32>,
        tpu.vector_store_idx %arg9[%get3A_240], %broadcast_in_dim3A_5 {add = true} : memref<100352xi32, #tpu.memory_space<vmem>>[vector<16xi32>], vector<16xi32>,
        tpu.vector_store_idx %arg9[%get3A_248], %broadcast_in_dim3A_5 {add = true} : memref<100352xi32, #tpu.memory_space<vmem>>[vector<16xi32>], vector<16xi32>,
        tpu.vector_store_idx %arg9[%get3A_256], %broadcast_in_dim3A_5 {add = true} : memref<100352xi32, #tpu.memory_space<vmem>>[vector<16xi32>], vector<16xi32>,
        tpu.vector_store_idx %arg9[%get3A_264], %broadcast_in_dim3A_5 {add = true} : memref<100352xi32, #tpu.memory_space<vmem>>[vector<16xi32>], vector<16xi32>,
        tpu.vector_store_idx %arg9[%get3A_272], %broadcast_in_dim3A_5 {add = true} : memref<100352xi32, #tpu.memory_space<vmem>>[vector<16xi32>], vector<16xi32>,
        tpu.vector_store_idx %arg9[%get3A_280], %broadcast_in_dim3A_5 {add = true} : memref<100352xi32, #tpu.memory_space<vmem>>[vector<16xi32>], vector<16xi32>,
        tpu.vector_store_idx %arg9[%get3A_288], %broadcast_in_dim3A_5 {add = true} : memref<100352xi32, #tpu.memory_space<vmem>>[vector<16xi32>], vector<16xi32>,
        tpu.vector_store_idx %arg9[%get3A_296], %broadcast_in_dim3A_5 {add = true} : memref<100352xi32, #tpu.memory_space<vmem>>[vector<16xi32>], vector<16xi32>,
      }
      %scan3A_145 = arith.constant 32 : i32
      %mul3A_146 = arith.constant 5 : i32
      %mul3A_147 = arith.muli %scan3A_65, %mul3A_146 : i32
      %add3A_148 = arith.constant 4 : i32
      %add3A_149 = arith.addi %mul3A_147, %add3A_148 : i32
      %add3A_150 = arith.constant 5 : i32
      %add3A_151 = arith.addi %add3A_149, %add3A_150 : i32
      %sub3A_152 = arith.constant 1 : i32
      %sub3A_153 = arith.subi %add3A_151, %sub3A_152 : i32
      %lt3A_154 = arith.constant 64 : i32
      %lt3A_155 = arith.cmpi slt, %sub3A_153, %lt3A_154 : i32
      %convert_element_type3A_156 = arith.extui %lt3A_155 : i1 to i32
      %cond3A_157 = arith.constant 0 : i32
      %cond3A_158 = arith.cmpi ne, %convert_element_type3A_156, %cond3A_157 : i32
      scf.if %cond3A_158 {
        %add3A_167 = arith.constant 5 : i32
        %add3A_168 = arith.addi %add3A_149, %add3A_167 : i32
        %sub3A_169 = arith.constant 1 : i32
        %sub3A_170 = arith.subi %add3A_168, %sub3A_169 : i32
        %mul3A_171 = arith.constant 4096 : i32
        %mul3A_172 = arith.muli %sub3A_170, %mul3A_171 : i32
        %add3A_173 = arith.addi %mul3A_2, %mul3A_172 : i32
        %dma_start3A_174 = tpu.memref_slice %arg2[%add3A_173] : memref<8388608xi32, #tpu.memory_space<hbm>> -> memref<4096xi32, #tpu.memory_space<hbm>>
        %dma_start3A_175 = tpu.memref_slice %arg2[%add3A_173] : memref<8388608xi32, #tpu.memory_space<hbm>> -> memref<4096xi32, #tpu.memory_space<hbm>>
        tpu.enqueue_dma source(%dma_start3A_175 : memref<4096xi32, #tpu.memory_space<hbm>>) target(%arg7 : memref<4096xi32, #tpu.memory_space<vmem>>) target_semaphore(%arg13 : memref<!tpu.dma_semaphore, #tpu.memory_space<semaphore_mem>>)
      } else {
      }
      %dma_wait3A_159 = tpu.memref_slice %arg2[%mul3A_2] : memref<8388608xi32, #tpu.memory_space<hbm>> -> memref<4096xi32, #tpu.memory_space<hbm>>
      %dma_wait3A_160 = tpu.memref_slice %arg2[%mul3A_2] : memref<8388608xi32, #tpu.memory_space<hbm>> -> memref<4096xi32, #tpu.memory_space<hbm>>
      tpu.wait_dma2 semaphore(%arg14 : memref<!tpu.dma_semaphore, #tpu.memory_space<semaphore_mem>>) src(%dma_wait3A_160 : memref<4096xi32, #tpu.memory_space<hbm>>) dst(%arg8 : memref<4096xi32, #tpu.memory_space<vmem>>)
      %scan3A_161 = arith.constant 0 : i32
      %scan3A_162 = arith.constant 0 : i32
      %scan3A_163 = arith.constant 32 : i32
      %scan3A_164 = arith.addi %scan3A_162, %scan3A_163 : i32
      %scan3A_165 = arith.constant 2 : i32
      scf.for %scan3A_167 = %scan3A_162 to %scan3A_164 step %scan3A_165  : i32 {
        %mul3A_168 = arith.constant 8 : i32
        %mul3A_169 = arith.muli %scan3A_167, %mul3A_168 : i32
        %add3A_170 = arith.constant 0 : i32
        %add3A_171 = arith.addi %mul3A_169, %add3A_170 : i32
        %mul3A_172 = arith.constant 16 : i32
        %mul3A_173 = arith.muli %add3A_171, %mul3A_172 : i32
        %get3A = arith.index_cast %mul3A_173 : i32 to index
        %get3A_174 = tpu.vector_load %arg8[%get3A] {strides = array<i32>} : memref<4096xi32, #tpu.memory_space<vmem>>, vector<16xi32>,
        %mul3A_175 = arith.constant 8 : i32
        %mul3A_176 = arith.muli %scan3A_167, %mul3A_175 : i32
        %add3A_177 = arith.constant 1 : i32
        %add3A_178 = arith.addi %mul3A_176, %add3A_177 : i32
        %mul3A_179 = arith.constant 16 : i32
        %mul3A_180 = arith.muli %add3A_178, %mul3A_179 : i32
        %get3A_181 = arith.index_cast %mul3A_180 : i32 to index
        %get3A_182 = tpu.vector_load %arg8[%get3A_181] {strides = array<i32>} : memref<4096xi32, #tpu.memory_space<vmem>>, vector<16xi32>,
        %mul3A_183 = arith.constant 8 : i32
        %mul3A_184 = arith.muli %scan3A_167, %mul3A_183 : i32
        %add3A_185 = arith.constant 2 : i32
        %add3A_186 = arith.addi %mul3A_184, %add3A_185 : i32
        %mul3A_187 = arith.constant 16 : i32
        %mul3A_188 = arith.muli %add3A_186, %mul3A_187 : i32
        %get3A_189 = arith.index_cast %mul3A_188 : i32 to index
        %get3A_190 = tpu.vector_load %arg8[%get3A_189] {strides = array<i32>} : memref<4096xi32, #tpu.memory_space<vmem>>, vector<16xi32>,
        %mul3A_191 = arith.constant 8 : i32
        %mul3A_192 = arith.muli %scan3A_167, %mul3A_191 : i32
        %add3A_193 = arith.constant 3 : i32
        %add3A_194 = arith.addi %mul3A_192, %add3A_193 : i32
        %mul3A_195 = arith.constant 16 : i32
        %mul3A_196 = arith.muli %add3A_194, %mul3A_195 : i32
        %get3A_197 = arith.index_cast %mul3A_196 : i32 to index
        %get3A_198 = tpu.vector_load %arg8[%get3A_197] {strides = array<i32>} : memref<4096xi32, #tpu.memory_space<vmem>>, vector<16xi32>,
        %mul3A_199 = arith.constant 8 : i32
        %mul3A_200 = arith.muli %scan3A_167, %mul3A_199 : i32
        %add3A_201 = arith.constant 4 : i32
        %add3A_202 = arith.addi %mul3A_200, %add3A_201 : i32
        %mul3A_203 = arith.constant 16 : i32
        %mul3A_204 = arith.muli %add3A_202, %mul3A_203 : i32
        %get3A_205 = arith.index_cast %mul3A_204 : i32 to index
        %get3A_206 = tpu.vector_load %arg8[%get3A_205] {strides = array<i32>} : memref<4096xi32, #tpu.memory_space<vmem>>, vector<16xi32>,
        %mul3A_207 = arith.constant 8 : i32
        %mul3A_208 = arith.muli %scan3A_167, %mul3A_207 : i32
        %add3A_209 = arith.constant 5 : i32
        %add3A_210 = arith.addi %mul3A_208, %add3A_209 : i32
        %mul3A_211 = arith.constant 16 : i32
        %mul3A_212 = arith.muli %add3A_210, %mul3A_211 : i32
        %get3A_213 = arith.index_cast %mul3A_212 : i32 to index
        %get3A_214 = tpu.vector_load %arg8[%get3A_213] {strides = array<i32>} : memref<4096xi32, #tpu.memory_space<vmem>>, vector<16xi32>,
        %mul3A_215 = arith.constant 8 : i32
        %mul3A_216 = arith.muli %scan3A_167, %mul3A_215 : i32
        %add3A_217 = arith.constant 6 : i32
        %add3A_218 = arith.addi %mul3A_216, %add3A_217 : i32
        %mul3A_219 = arith.constant 16 : i32
        %mul3A_220 = arith.muli %add3A_218, %mul3A_219 : i32
        %get3A_221 = arith.index_cast %mul3A_220 : i32 to index
        %get3A_222 = tpu.vector_load %arg8[%get3A_221] {strides = array<i32>} : memref<4096xi32, #tpu.memory_space<vmem>>, vector<16xi32>,
        %mul3A_223 = arith.constant 8 : i32
        %mul3A_224 = arith.muli %scan3A_167, %mul3A_223 : i32
        %add3A_225 = arith.constant 7 : i32
        %add3A_226 = arith.addi %mul3A_224, %add3A_225 : i32
        %mul3A_227 = arith.constant 16 : i32
        %mul3A_228 = arith.muli %add3A_226, %mul3A_227 : i32
        %get3A_229 = arith.index_cast %mul3A_228 : i32 to index
        %get3A_230 = tpu.vector_load %arg8[%get3A_229] {strides = array<i32>} : memref<4096xi32, #tpu.memory_space<vmem>>, vector<16xi32>,
        tpu.vector_store_idx %arg9[%get3A_174], %broadcast_in_dim3A_5 {add = true} : memref<100352xi32, #tpu.memory_space<vmem>>[vector<16xi32>], vector<16xi32>,
        tpu.vector_store_idx %arg9[%get3A_182], %broadcast_in_dim3A_5 {add = true} : memref<100352xi32, #tpu.memory_space<vmem>>[vector<16xi32>], vector<16xi32>,
        tpu.vector_store_idx %arg9[%get3A_190], %broadcast_in_dim3A_5 {add = true} : memref<100352xi32, #tpu.memory_space<vmem>>[vector<16xi32>], vector<16xi32>,
        tpu.vector_store_idx %arg9[%get3A_198], %broadcast_in_dim3A_5 {add = true} : memref<100352xi32, #tpu.memory_space<vmem>>[vector<16xi32>], vector<16xi32>,
        tpu.vector_store_idx %arg9[%get3A_206], %broadcast_in_dim3A_5 {add = true} : memref<100352xi32, #tpu.memory_space<vmem>>[vector<16xi32>], vector<16xi32>,
        tpu.vector_store_idx %arg9[%get3A_214], %broadcast_in_dim3A_5 {add = true} : memref<100352xi32, #tpu.memory_space<vmem>>[vector<16xi32>], vector<16xi32>,
        tpu.vector_store_idx %arg9[%get3A_222], %broadcast_in_dim3A_5 {add = true} : memref<100352xi32, #tpu.memory_space<vmem>>[vector<16xi32>], vector<16xi32>,
        tpu.vector_store_idx %arg9[%get3A_230], %broadcast_in_dim3A_5 {add = true} : memref<100352xi32, #tpu.memory_space<vmem>>[vector<16xi32>], vector<16xi32>,
        %scan3A_231 = arith.constant 1 : i32
        %scan3A_232 = arith.addi %scan3A_167, %scan3A_231 : i32
        %mul3A_233 = arith.constant 8 : i32
        %mul3A_234 = arith.muli %scan3A_232, %mul3A_233 : i32
        %add3A_235 = arith.constant 0 : i32
        %add3A_236 = arith.addi %mul3A_234, %add3A_235 : i32
        %mul3A_237 = arith.constant 16 : i32
        %mul3A_238 = arith.muli %add3A_236, %mul3A_237 : i32
        %get3A_239 = arith.index_cast %mul3A_238 : i32 to index
        %get3A_240 = tpu.vector_load %arg8[%get3A_239] {strides = array<i32>} : memref<4096xi32, #tpu.memory_space<vmem>>, vector<16xi32>,
        %mul3A_241 = arith.constant 8 : i32
        %mul3A_242 = arith.muli %scan3A_232, %mul3A_241 : i32
        %add3A_243 = arith.constant 1 : i32
        %add3A_244 = arith.addi %mul3A_242, %add3A_243 : i32
        %mul3A_245 = arith.constant 16 : i32
        %mul3A_246 = arith.muli %add3A_244, %mul3A_245 : i32
        %get3A_247 = arith.index_cast %mul3A_246 : i32 to index
        %get3A_248 = tpu.vector_load %arg8[%get3A_247] {strides = array<i32>} : memref<4096xi32, #tpu.memory_space<vmem>>, vector<16xi32>,
        %mul3A_249 = arith.constant 8 : i32
        %mul3A_250 = arith.muli %scan3A_232, %mul3A_249 : i32
        %add3A_251 = arith.constant 2 : i32
        %add3A_252 = arith.addi %mul3A_250, %add3A_251 : i32
        %mul3A_253 = arith.constant 16 : i32
        %mul3A_254 = arith.muli %add3A_252, %mul3A_253 : i32
        %get3A_255 = arith.index_cast %mul3A_254 : i32 to index
        %get3A_256 = tpu.vector_load %arg8[%get3A_255] {strides = array<i32>} : memref<4096xi32, #tpu.memory_space<vmem>>, vector<16xi32>,
        %mul3A_257 = arith.constant 8 : i32
        %mul3A_258 = arith.muli %scan3A_232, %mul3A_257 : i32
        %add3A_259 = arith.constant 3 : i32
        %add3A_260 = arith.addi %mul3A_258, %add3A_259 : i32
        %mul3A_261 = arith.constant 16 : i32
        %mul3A_262 = arith.muli %add3A_260, %mul3A_261 : i32
        %get3A_263 = arith.index_cast %mul3A_262 : i32 to index
        %get3A_264 = tpu.vector_load %arg8[%get3A_263] {strides = array<i32>} : memref<4096xi32, #tpu.memory_space<vmem>>, vector<16xi32>,
        %mul3A_265 = arith.constant 8 : i32
        %mul3A_266 = arith.muli %scan3A_232, %mul3A_265 : i32
        %add3A_267 = arith.constant 4 : i32
        %add3A_268 = arith.addi %mul3A_266, %add3A_267 : i32
        %mul3A_269 = arith.constant 16 : i32
        %mul3A_270 = arith.muli %add3A_268, %mul3A_269 : i32
        %get3A_271 = arith.index_cast %mul3A_270 : i32 to index
        %get3A_272 = tpu.vector_load %arg8[%get3A_271] {strides = array<i32>} : memref<4096xi32, #tpu.memory_space<vmem>>, vector<16xi32>,
        %mul3A_273 = arith.constant 8 : i32
        %mul3A_274 = arith.muli %scan3A_232, %mul3A_273 : i32
        %add3A_275 = arith.constant 5 : i32
        %add3A_276 = arith.addi %mul3A_274, %add3A_275 : i32
        %mul3A_277 = arith.constant 16 : i32
        %mul3A_278 = arith.muli %add3A_276, %mul3A_277 : i32
        %get3A_279 = arith.index_cast %mul3A_278 : i32 to index
        %get3A_280 = tpu.vector_load %arg8[%get3A_279] {strides = array<i32>} : memref<4096xi32, #tpu.memory_space<vmem>>, vector<16xi32>,
        %mul3A_281 = arith.constant 8 : i32
        %mul3A_282 = arith.muli %scan3A_232, %mul3A_281 : i32
        %add3A_283 = arith.constant 6 : i32
        %add3A_284 = arith.addi %mul3A_282, %add3A_283 : i32
        %mul3A_285 = arith.constant 16 : i32
        %mul3A_286 = arith.muli %add3A_284, %mul3A_285 : i32
        %get3A_287 = arith.index_cast %mul3A_286 : i32 to index
        %get3A_288 = tpu.vector_load %arg8[%get3A_287] {strides = array<i32>} : memref<4096xi32, #tpu.memory_space<vmem>>, vector<16xi32>,
        %mul3A_289 = arith.constant 8 : i32
        %mul3A_290 = arith.muli %scan3A_232, %mul3A_289 : i32
        %add3A_291 = arith.constant 7 : i32
        %add3A_292 = arith.addi %mul3A_290, %add3A_291 : i32
        %mul3A_293 = arith.constant 16 : i32
        %mul3A_294 = arith.muli %add3A_292, %mul3A_293 : i32
        %get3A_295 = arith.index_cast %mul3A_294 : i32 to index
        %get3A_296 = tpu.vector_load %arg8[%get3A_295] {strides = array<i32>} : memref<4096xi32, #tpu.memory_space<vmem>>, vector<16xi32>,
        tpu.vector_store_idx %arg9[%get3A_240], %broadcast_in_dim3A_5 {add = true} : memref<100352xi32, #tpu.memory_space<vmem>>[vector<16xi32>], vector<16xi32>,
        tpu.vector_store_idx %arg9[%get3A_248], %broadcast_in_dim3A_5 {add = true} : memref<100352xi32, #tpu.memory_space<vmem>>[vector<16xi32>], vector<16xi32>,
        tpu.vector_store_idx %arg9[%get3A_256], %broadcast_in_dim3A_5 {add = true} : memref<100352xi32, #tpu.memory_space<vmem>>[vector<16xi32>], vector<16xi32>,
        tpu.vector_store_idx %arg9[%get3A_264], %broadcast_in_dim3A_5 {add = true} : memref<100352xi32, #tpu.memory_space<vmem>>[vector<16xi32>], vector<16xi32>,
        tpu.vector_store_idx %arg9[%get3A_272], %broadcast_in_dim3A_5 {add = true} : memref<100352xi32, #tpu.memory_space<vmem>>[vector<16xi32>], vector<16xi32>,
        tpu.vector_store_idx %arg9[%get3A_280], %broadcast_in_dim3A_5 {add = true} : memref<100352xi32, #tpu.memory_space<vmem>>[vector<16xi32>], vector<16xi32>,
        tpu.vector_store_idx %arg9[%get3A_288], %broadcast_in_dim3A_5 {add = true} : memref<100352xi32, #tpu.memory_space<vmem>>[vector<16xi32>], vector<16xi32>,
        tpu.vector_store_idx %arg9[%get3A_296], %broadcast_in_dim3A_5 {add = true} : memref<100352xi32, #tpu.memory_space<vmem>>[vector<16xi32>], vector<16xi32>,
      }
      %scan3A_166 = arith.constant 32 : i32
    }
    %scan3A_31 = arith.constant 12 : i32
    %dma_wait3A = tpu.memref_slice %arg2[%mul3A_2] : memref<8388608xi32, #tpu.memory_space<hbm>> -> memref<4096xi32, #tpu.memory_space<hbm>>
    %dma_wait3A_32 = tpu.memref_slice %arg2[%mul3A_2] : memref<8388608xi32, #tpu.memory_space<hbm>> -> memref<4096xi32, #tpu.memory_space<hbm>>
    tpu.wait_dma2 semaphore(%arg10 : memref<!tpu.dma_semaphore, #tpu.memory_space<semaphore_mem>>) src(%dma_wait3A_32 : memref<4096xi32, #tpu.memory_space<hbm>>) dst(%arg4 : memref<4096xi32, #tpu.memory_space<vmem>>)
    %scan3A_33 = arith.constant 0 : i32
    %scan3A_34 = arith.constant 0 : i32
    %scan3A_35 = arith.constant 32 : i32
    %scan3A_36 = arith.addi %scan3A_34, %scan3A_35 : i32
    %scan3A_37 = arith.constant 2 : i32
    scf.for %scan3A_65 = %scan3A_34 to %scan3A_36 step %scan3A_37  : i32 {
      %mul3A_66 = arith.constant 8 : i32
      %mul3A_67 = arith.muli %scan3A_65, %mul3A_66 : i32
      %add3A_68 = arith.constant 0 : i32
      %add3A_69 = arith.addi %mul3A_67, %add3A_68 : i32
      %mul3A_70 = arith.constant 16 : i32
      %mul3A_71 = arith.muli %add3A_69, %mul3A_70 : i32
      %get3A = arith.index_cast %mul3A_71 : i32 to index
      %get3A_72 = tpu.vector_load %arg4[%get3A] {strides = array<i32>} : memref<4096xi32, #tpu.memory_space<vmem>>, vector<16xi32>,
      %mul3A_73 = arith.constant 8 : i32
      %mul3A_74 = arith.muli %scan3A_65, %mul3A_73 : i32
      %add3A_75 = arith.constant 1 : i32
      %add3A_76 = arith.addi %mul3A_74, %add3A_75 : i32
      %mul3A_77 = arith.constant 16 : i32
      %mul3A_78 = arith.muli %add3A_76, %mul3A_77 : i32
      %get3A_79 = arith.index_cast %mul3A_78 : i32 to index
      %get3A_80 = tpu.vector_load %arg4[%get3A_79] {strides = array<i32>} : memref<4096xi32, #tpu.memory_space<vmem>>, vector<16xi32>,
      %mul3A_81 = arith.constant 8 : i32
      %mul3A_82 = arith.muli %scan3A_65, %mul3A_81 : i32
      %add3A_83 = arith.constant 2 : i32
      %add3A_84 = arith.addi %mul3A_82, %add3A_83 : i32
      %mul3A_85 = arith.constant 16 : i32
      %mul3A_86 = arith.muli %add3A_84, %mul3A_85 : i32
      %get3A_87 = arith.index_cast %mul3A_86 : i32 to index
      %get3A_88 = tpu.vector_load %arg4[%get3A_87] {strides = array<i32>} : memref<4096xi32, #tpu.memory_space<vmem>>, vector<16xi32>,
      %mul3A_89 = arith.constant 8 : i32
      %mul3A_90 = arith.muli %scan3A_65, %mul3A_89 : i32
      %add3A_91 = arith.constant 3 : i32
      %add3A_92 = arith.addi %mul3A_90, %add3A_91 : i32
      %mul3A_93 = arith.constant 16 : i32
      %mul3A_94 = arith.muli %add3A_92, %mul3A_93 : i32
      %get3A_95 = arith.index_cast %mul3A_94 : i32 to index
      %get3A_96 = tpu.vector_load %arg4[%get3A_95] {strides = array<i32>} : memref<4096xi32, #tpu.memory_space<vmem>>, vector<16xi32>,
      %mul3A_97 = arith.constant 8 : i32
      %mul3A_98 = arith.muli %scan3A_65, %mul3A_97 : i32
      %add3A_99 = arith.constant 4 : i32
      %add3A_100 = arith.addi %mul3A_98, %add3A_99 : i32
      %mul3A_101 = arith.constant 16 : i32
      %mul3A_102 = arith.muli %add3A_100, %mul3A_101 : i32
      %get3A_103 = arith.index_cast %mul3A_102 : i32 to index
      %get3A_104 = tpu.vector_load %arg4[%get3A_103] {strides = array<i32>} : memref<4096xi32, #tpu.memory_space<vmem>>, vector<16xi32>,
      %mul3A_105 = arith.constant 8 : i32
      %mul3A_106 = arith.muli %scan3A_65, %mul3A_105 : i32
      %add3A_107 = arith.constant 5 : i32
      %add3A_108 = arith.addi %mul3A_106, %add3A_107 : i32
      %mul3A_109 = arith.constant 16 : i32
      %mul3A_110 = arith.muli %add3A_108, %mul3A_109 : i32
      %get3A_111 = arith.index_cast %mul3A_110 : i32 to index
      %get3A_112 = tpu.vector_load %arg4[%get3A_111] {strides = array<i32>} : memref<4096xi32, #tpu.memory_space<vmem>>, vector<16xi32>,
      %mul3A_113 = arith.constant 8 : i32
      %mul3A_114 = arith.muli %scan3A_65, %mul3A_113 : i32
      %add3A_115 = arith.constant 6 : i32
      %add3A_116 = arith.addi %mul3A_114, %add3A_115 : i32
      %mul3A_117 = arith.constant 16 : i32
      %mul3A_118 = arith.muli %add3A_116, %mul3A_117 : i32
      %get3A_119 = arith.index_cast %mul3A_118 : i32 to index
      %get3A_120 = tpu.vector_load %arg4[%get3A_119] {strides = array<i32>} : memref<4096xi32, #tpu.memory_space<vmem>>, vector<16xi32>,
      %mul3A_121 = arith.constant 8 : i32
      %mul3A_122 = arith.muli %scan3A_65, %mul3A_121 : i32
      %add3A_123 = arith.constant 7 : i32
      %add3A_124 = arith.addi %mul3A_122, %add3A_123 : i32
      %mul3A_125 = arith.constant 16 : i32
      %mul3A_126 = arith.muli %add3A_124, %mul3A_125 : i32
      %get3A_127 = arith.index_cast %mul3A_126 : i32 to index
      %get3A_128 = tpu.vector_load %arg4[%get3A_127] {strides = array<i32>} : memref<4096xi32, #tpu.memory_space<vmem>>, vector<16xi32>,
      tpu.vector_store_idx %arg9[%get3A_72], %broadcast_in_dim3A_5 {add = true} : memref<100352xi32, #tpu.memory_space<vmem>>[vector<16xi32>], vector<16xi32>,
      tpu.vector_store_idx %arg9[%get3A_80], %broadcast_in_dim3A_5 {add = true} : memref<100352xi32, #tpu.memory_space<vmem>>[vector<16xi32>], vector<16xi32>,
      tpu.vector_store_idx %arg9[%get3A_88], %broadcast_in_dim3A_5 {add = true} : memref<100352xi32, #tpu.memory_space<vmem>>[vector<16xi32>], vector<16xi32>,
      tpu.vector_store_idx %arg9[%get3A_96], %broadcast_in_dim3A_5 {add = true} : memref<100352xi32, #tpu.memory_space<vmem>>[vector<16xi32>], vector<16xi32>,
      tpu.vector_store_idx %arg9[%get3A_104], %broadcast_in_dim3A_5 {add = true} : memref<100352xi32, #tpu.memory_space<vmem>>[vector<16xi32>], vector<16xi32>,
      tpu.vector_store_idx %arg9[%get3A_112], %broadcast_in_dim3A_5 {add = true} : memref<100352xi32, #tpu.memory_space<vmem>>[vector<16xi32>], vector<16xi32>,
      tpu.vector_store_idx %arg9[%get3A_120], %broadcast_in_dim3A_5 {add = true} : memref<100352xi32, #tpu.memory_space<vmem>>[vector<16xi32>], vector<16xi32>,
      tpu.vector_store_idx %arg9[%get3A_128], %broadcast_in_dim3A_5 {add = true} : memref<100352xi32, #tpu.memory_space<vmem>>[vector<16xi32>], vector<16xi32>,
      %scan3A_129 = arith.constant 1 : i32
      %scan3A_130 = arith.addi %scan3A_65, %scan3A_129 : i32
      %mul3A_131 = arith.constant 8 : i32
      %mul3A_132 = arith.muli %scan3A_130, %mul3A_131 : i32
      %add3A_133 = arith.constant 0 : i32
      %add3A_134 = arith.addi %mul3A_132, %add3A_133 : i32
      %mul3A_135 = arith.constant 16 : i32
      %mul3A_136 = arith.muli %add3A_134, %mul3A_135 : i32
      %get3A_137 = arith.index_cast %mul3A_136 : i32 to index
      %get3A_138 = tpu.vector_load %arg4[%get3A_137] {strides = array<i32>} : memref<4096xi32, #tpu.memory_space<vmem>>, vector<16xi32>,
      %mul3A_139 = arith.constant 8 : i32
      %mul3A_140 = arith.muli %scan3A_130, %mul3A_139 : i32
      %add3A_141 = arith.constant 1 : i32
      %add3A_142 = arith.addi %mul3A_140, %add3A_141 : i32
      %mul3A_143 = arith.constant 16 : i32
      %mul3A_144 = arith.muli %add3A_142, %mul3A_143 : i32
      %get3A_145 = arith.index_cast %mul3A_144 : i32 to index
      %get3A_146 = tpu.vector_load %arg4[%get3A_145] {strides = array<i32>} : memref<4096xi32, #tpu.memory_space<vmem>>, vector<16xi32>,
      %mul3A_147 = arith.constant 8 : i32
      %mul3A_148 = arith.muli %scan3A_130, %mul3A_147 : i32
      %add3A_149 = arith.constant 2 : i32
      %add3A_150 = arith.addi %mul3A_148, %add3A_149 : i32
      %mul3A_151 = arith.constant 16 : i32
      %mul3A_152 = arith.muli %add3A_150, %mul3A_151 : i32
      %get3A_153 = arith.index_cast %mul3A_152 : i32 to index
      %get3A_154 = tpu.vector_load %arg4[%get3A_153] {strides = array<i32>} : memref<4096xi32, #tpu.memory_space<vmem>>, vector<16xi32>,
      %mul3A_155 = arith.constant 8 : i32
      %mul3A_156 = arith.muli %scan3A_130, %mul3A_155 : i32
      %add3A_157 = arith.constant 3 : i32
      %add3A_158 = arith.addi %mul3A_156, %add3A_157 : i32
      %mul3A_159 = arith.constant 16 : i32
      %mul3A_160 = arith.muli %add3A_158, %mul3A_159 : i32
      %get3A_161 = arith.index_cast %mul3A_160 : i32 to index
      %get3A_162 = tpu.vector_load %arg4[%get3A_161] {strides = array<i32>} : memref<4096xi32, #tpu.memory_space<vmem>>, vector<16xi32>,
      %mul3A_163 = arith.constant 8 : i32
      %mul3A_164 = arith.muli %scan3A_130, %mul3A_163 : i32
      %add3A_165 = arith.constant 4 : i32
      %add3A_166 = arith.addi %mul3A_164, %add3A_165 : i32
      %mul3A_167 = arith.constant 16 : i32
      %mul3A_168 = arith.muli %add3A_166, %mul3A_167 : i32
      %get3A_169 = arith.index_cast %mul3A_168 : i32 to index
      %get3A_170 = tpu.vector_load %arg4[%get3A_169] {strides = array<i32>} : memref<4096xi32, #tpu.memory_space<vmem>>, vector<16xi32>,
      %mul3A_171 = arith.constant 8 : i32
      %mul3A_172 = arith.muli %scan3A_130, %mul3A_171 : i32
      %add3A_173 = arith.constant 5 : i32
      %add3A_174 = arith.addi %mul3A_172, %add3A_173 : i32
      %mul3A_175 = arith.constant 16 : i32
      %mul3A_176 = arith.muli %add3A_174, %mul3A_175 : i32
      %get3A_177 = arith.index_cast %mul3A_176 : i32 to index
      %get3A_178 = tpu.vector_load %arg4[%get3A_177] {strides = array<i32>} : memref<4096xi32, #tpu.memory_space<vmem>>, vector<16xi32>,
      %mul3A_179 = arith.constant 8 : i32
      %mul3A_180 = arith.muli %scan3A_130, %mul3A_179 : i32
      %add3A_181 = arith.constant 6 : i32
      %add3A_182 = arith.addi %mul3A_180, %add3A_181 : i32
      %mul3A_183 = arith.constant 16 : i32
      %mul3A_184 = arith.muli %add3A_182, %mul3A_183 : i32
      %get3A_185 = arith.index_cast %mul3A_184 : i32 to index
      %get3A_186 = tpu.vector_load %arg4[%get3A_185] {strides = array<i32>} : memref<4096xi32, #tpu.memory_space<vmem>>, vector<16xi32>,
      %mul3A_187 = arith.constant 8 : i32
      %mul3A_188 = arith.muli %scan3A_130, %mul3A_187 : i32
      %add3A_189 = arith.constant 7 : i32
      %add3A_190 = arith.addi %mul3A_188, %add3A_189 : i32
      %mul3A_191 = arith.constant 16 : i32
      %mul3A_192 = arith.muli %add3A_190, %mul3A_191 : i32
      %get3A_193 = arith.index_cast %mul3A_192 : i32 to index
      %get3A_194 = tpu.vector_load %arg4[%get3A_193] {strides = array<i32>} : memref<4096xi32, #tpu.memory_space<vmem>>, vector<16xi32>,
      tpu.vector_store_idx %arg9[%get3A_138], %broadcast_in_dim3A_5 {add = true} : memref<100352xi32, #tpu.memory_space<vmem>>[vector<16xi32>], vector<16xi32>,
      tpu.vector_store_idx %arg9[%get3A_146], %broadcast_in_dim3A_5 {add = true} : memref<100352xi32, #tpu.memory_space<vmem>>[vector<16xi32>], vector<16xi32>,
      tpu.vector_store_idx %arg9[%get3A_154], %broadcast_in_dim3A_5 {add = true} : memref<100352xi32, #tpu.memory_space<vmem>>[vector<16xi32>], vector<16xi32>,
      tpu.vector_store_idx %arg9[%get3A_162], %broadcast_in_dim3A_5 {add = true} : memref<100352xi32, #tpu.memory_space<vmem>>[vector<16xi32>], vector<16xi32>,
      tpu.vector_store_idx %arg9[%get3A_170], %broadcast_in_dim3A_5 {add = true} : memref<100352xi32, #tpu.memory_space<vmem>>[vector<16xi32>], vector<16xi32>,
      tpu.vector_store_idx %arg9[%get3A_178], %broadcast_in_dim3A_5 {add = true} : memref<100352xi32, #tpu.memory_space<vmem>>[vector<16xi32>], vector<16xi32>,
      tpu.vector_store_idx %arg9[%get3A_186], %broadcast_in_dim3A_5 {add = true} : memref<100352xi32, #tpu.memory_space<vmem>>[vector<16xi32>], vector<16xi32>,
      tpu.vector_store_idx %arg9[%get3A_194], %broadcast_in_dim3A_5 {add = true} : memref<100352xi32, #tpu.memory_space<vmem>>[vector<16xi32>], vector<16xi32>,
    }
    %scan3A_38 = arith.constant 32 : i32
    %dma_wait3A_39 = tpu.memref_slice %arg2[%mul3A_2] : memref<8388608xi32, #tpu.memory_space<hbm>> -> memref<4096xi32, #tpu.memory_space<hbm>>
    %dma_wait3A_40 = tpu.memref_slice %arg2[%mul3A_2] : memref<8388608xi32, #tpu.memory_space<hbm>> -> memref<4096xi32, #tpu.memory_space<hbm>>
    tpu.wait_dma2 semaphore(%arg11 : memref<!tpu.dma_semaphore, #tpu.memory_space<semaphore_mem>>) src(%dma_wait3A_40 : memref<4096xi32, #tpu.memory_space<hbm>>) dst(%arg5 : memref<4096xi32, #tpu.memory_space<vmem>>)
    %scan3A_41 = arith.constant 0 : i32
    %scan3A_42 = arith.constant 0 : i32
    %scan3A_43 = arith.constant 32 : i32
    %scan3A_44 = arith.addi %scan3A_42, %scan3A_43 : i32
    %scan3A_45 = arith.constant 2 : i32
    scf.for %scan3A_65 = %scan3A_42 to %scan3A_44 step %scan3A_45  : i32 {
      %mul3A_66 = arith.constant 8 : i32
      %mul3A_67 = arith.muli %scan3A_65, %mul3A_66 : i32
      %add3A_68 = arith.constant 0 : i32
      %add3A_69 = arith.addi %mul3A_67, %add3A_68 : i32
      %mul3A_70 = arith.constant 16 : i32
      %mul3A_71 = arith.muli %add3A_69, %mul3A_70 : i32
      %get3A = arith.index_cast %mul3A_71 : i32 to index
      %get3A_72 = tpu.vector_load %arg5[%get3A] {strides = array<i32>} : memref<4096xi32, #tpu.memory_space<vmem>>, vector<16xi32>,
      %mul3A_73 = arith.constant 8 : i32
      %mul3A_74 = arith.muli %scan3A_65, %mul3A_73 : i32
      %add3A_75 = arith.constant 1 : i32
      %add3A_76 = arith.addi %mul3A_74, %add3A_75 : i32
      %mul3A_77 = arith.constant 16 : i32
      %mul3A_78 = arith.muli %add3A_76, %mul3A_77 : i32
      %get3A_79 = arith.index_cast %mul3A_78 : i32 to index
      %get3A_80 = tpu.vector_load %arg5[%get3A_79] {strides = array<i32>} : memref<4096xi32, #tpu.memory_space<vmem>>, vector<16xi32>,
      %mul3A_81 = arith.constant 8 : i32
      %mul3A_82 = arith.muli %scan3A_65, %mul3A_81 : i32
      %add3A_83 = arith.constant 2 : i32
      %add3A_84 = arith.addi %mul3A_82, %add3A_83 : i32
      %mul3A_85 = arith.constant 16 : i32
      %mul3A_86 = arith.muli %add3A_84, %mul3A_85 : i32
      %get3A_87 = arith.index_cast %mul3A_86 : i32 to index
      %get3A_88 = tpu.vector_load %arg5[%get3A_87] {strides = array<i32>} : memref<4096xi32, #tpu.memory_space<vmem>>, vector<16xi32>,
      %mul3A_89 = arith.constant 8 : i32
      %mul3A_90 = arith.muli %scan3A_65, %mul3A_89 : i32
      %add3A_91 = arith.constant 3 : i32
      %add3A_92 = arith.addi %mul3A_90, %add3A_91 : i32
      %mul3A_93 = arith.constant 16 : i32
      %mul3A_94 = arith.muli %add3A_92, %mul3A_93 : i32
      %get3A_95 = arith.index_cast %mul3A_94 : i32 to index
      %get3A_96 = tpu.vector_load %arg5[%get3A_95] {strides = array<i32>} : memref<4096xi32, #tpu.memory_space<vmem>>, vector<16xi32>,
      %mul3A_97 = arith.constant 8 : i32
      %mul3A_98 = arith.muli %scan3A_65, %mul3A_97 : i32
      %add3A_99 = arith.constant 4 : i32
      %add3A_100 = arith.addi %mul3A_98, %add3A_99 : i32
      %mul3A_101 = arith.constant 16 : i32
      %mul3A_102 = arith.muli %add3A_100, %mul3A_101 : i32
      %get3A_103 = arith.index_cast %mul3A_102 : i32 to index
      %get3A_104 = tpu.vector_load %arg5[%get3A_103] {strides = array<i32>} : memref<4096xi32, #tpu.memory_space<vmem>>, vector<16xi32>,
      %mul3A_105 = arith.constant 8 : i32
      %mul3A_106 = arith.muli %scan3A_65, %mul3A_105 : i32
      %add3A_107 = arith.constant 5 : i32
      %add3A_108 = arith.addi %mul3A_106, %add3A_107 : i32
      %mul3A_109 = arith.constant 16 : i32
      %mul3A_110 = arith.muli %add3A_108, %mul3A_109 : i32
      %get3A_111 = arith.index_cast %mul3A_110 : i32 to index
      %get3A_112 = tpu.vector_load %arg5[%get3A_111] {strides = array<i32>} : memref<4096xi32, #tpu.memory_space<vmem>>, vector<16xi32>,
      %mul3A_113 = arith.constant 8 : i32
      %mul3A_114 = arith.muli %scan3A_65, %mul3A_113 : i32
      %add3A_115 = arith.constant 6 : i32
      %add3A_116 = arith.addi %mul3A_114, %add3A_115 : i32
      %mul3A_117 = arith.constant 16 : i32
      %mul3A_118 = arith.muli %add3A_116, %mul3A_117 : i32
      %get3A_119 = arith.index_cast %mul3A_118 : i32 to index
      %get3A_120 = tpu.vector_load %arg5[%get3A_119] {strides = array<i32>} : memref<4096xi32, #tpu.memory_space<vmem>>, vector<16xi32>,
      %mul3A_121 = arith.constant 8 : i32
      %mul3A_122 = arith.muli %scan3A_65, %mul3A_121 : i32
      %add3A_123 = arith.constant 7 : i32
      %add3A_124 = arith.addi %mul3A_122, %add3A_123 : i32
      %mul3A_125 = arith.constant 16 : i32
      %mul3A_126 = arith.muli %add3A_124, %mul3A_125 : i32
      %get3A_127 = arith.index_cast %mul3A_126 : i32 to index
      %get3A_128 = tpu.vector_load %arg5[%get3A_127] {strides = array<i32>} : memref<4096xi32, #tpu.memory_space<vmem>>, vector<16xi32>,
      tpu.vector_store_idx %arg9[%get3A_72], %broadcast_in_dim3A_5 {add = true} : memref<100352xi32, #tpu.memory_space<vmem>>[vector<16xi32>], vector<16xi32>,
      tpu.vector_store_idx %arg9[%get3A_80], %broadcast_in_dim3A_5 {add = true} : memref<100352xi32, #tpu.memory_space<vmem>>[vector<16xi32>], vector<16xi32>,
      tpu.vector_store_idx %arg9[%get3A_88], %broadcast_in_dim3A_5 {add = true} : memref<100352xi32, #tpu.memory_space<vmem>>[vector<16xi32>], vector<16xi32>,
      tpu.vector_store_idx %arg9[%get3A_96], %broadcast_in_dim3A_5 {add = true} : memref<100352xi32, #tpu.memory_space<vmem>>[vector<16xi32>], vector<16xi32>,
      tpu.vector_store_idx %arg9[%get3A_104], %broadcast_in_dim3A_5 {add = true} : memref<100352xi32, #tpu.memory_space<vmem>>[vector<16xi32>], vector<16xi32>,
      tpu.vector_store_idx %arg9[%get3A_112], %broadcast_in_dim3A_5 {add = true} : memref<100352xi32, #tpu.memory_space<vmem>>[vector<16xi32>], vector<16xi32>,
      tpu.vector_store_idx %arg9[%get3A_120], %broadcast_in_dim3A_5 {add = true} : memref<100352xi32, #tpu.memory_space<vmem>>[vector<16xi32>], vector<16xi32>,
      tpu.vector_store_idx %arg9[%get3A_128], %broadcast_in_dim3A_5 {add = true} : memref<100352xi32, #tpu.memory_space<vmem>>[vector<16xi32>], vector<16xi32>,
      %scan3A_129 = arith.constant 1 : i32
      %scan3A_130 = arith.addi %scan3A_65, %scan3A_129 : i32
      %mul3A_131 = arith.constant 8 : i32
      %mul3A_132 = arith.muli %scan3A_130, %mul3A_131 : i32
      %add3A_133 = arith.constant 0 : i32
      %add3A_134 = arith.addi %mul3A_132, %add3A_133 : i32
      %mul3A_135 = arith.constant 16 : i32
      %mul3A_136 = arith.muli %add3A_134, %mul3A_135 : i32
      %get3A_137 = arith.index_cast %mul3A_136 : i32 to index
      %get3A_138 = tpu.vector_load %arg5[%get3A_137] {strides = array<i32>} : memref<4096xi32, #tpu.memory_space<vmem>>, vector<16xi32>,
      %mul3A_139 = arith.constant 8 : i32
      %mul3A_140 = arith.muli %scan3A_130, %mul3A_139 : i32
      %add3A_141 = arith.constant 1 : i32
      %add3A_142 = arith.addi %mul3A_140, %add3A_141 : i32
      %mul3A_143 = arith.constant 16 : i32
      %mul3A_144 = arith.muli %add3A_142, %mul3A_143 : i32
      %get3A_145 = arith.index_cast %mul3A_144 : i32 to index
      %get3A_146 = tpu.vector_load %arg5[%get3A_145] {strides = array<i32>} : memref<4096xi32, #tpu.memory_space<vmem>>, vector<16xi32>,
      %mul3A_147 = arith.constant 8 : i32
      %mul3A_148 = arith.muli %scan3A_130, %mul3A_147 : i32
      %add3A_149 = arith.constant 2 : i32
      %add3A_150 = arith.addi %mul3A_148, %add3A_149 : i32
      %mul3A_151 = arith.constant 16 : i32
      %mul3A_152 = arith.muli %add3A_150, %mul3A_151 : i32
      %get3A_153 = arith.index_cast %mul3A_152 : i32 to index
      %get3A_154 = tpu.vector_load %arg5[%get3A_153] {strides = array<i32>} : memref<4096xi32, #tpu.memory_space<vmem>>, vector<16xi32>,
      %mul3A_155 = arith.constant 8 : i32
      %mul3A_156 = arith.muli %scan3A_130, %mul3A_155 : i32
      %add3A_157 = arith.constant 3 : i32
      %add3A_158 = arith.addi %mul3A_156, %add3A_157 : i32
      %mul3A_159 = arith.constant 16 : i32
      %mul3A_160 = arith.muli %add3A_158, %mul3A_159 : i32
      %get3A_161 = arith.index_cast %mul3A_160 : i32 to index
      %get3A_162 = tpu.vector_load %arg5[%get3A_161] {strides = array<i32>} : memref<4096xi32, #tpu.memory_space<vmem>>, vector<16xi32>,
      %mul3A_163 = arith.constant 8 : i32
      %mul3A_164 = arith.muli %scan3A_130, %mul3A_163 : i32
      %add3A_165 = arith.constant 4 : i32
      %add3A_166 = arith.addi %mul3A_164, %add3A_165 : i32
      %mul3A_167 = arith.constant 16 : i32
      %mul3A_168 = arith.muli %add3A_166, %mul3A_167 : i32
      %get3A_169 = arith.index_cast %mul3A_168 : i32 to index
      %get3A_170 = tpu.vector_load %arg5[%get3A_169] {strides = array<i32>} : memref<4096xi32, #tpu.memory_space<vmem>>, vector<16xi32>,
      %mul3A_171 = arith.constant 8 : i32
      %mul3A_172 = arith.muli %scan3A_130, %mul3A_171 : i32
      %add3A_173 = arith.constant 5 : i32
      %add3A_174 = arith.addi %mul3A_172, %add3A_173 : i32
      %mul3A_175 = arith.constant 16 : i32
      %mul3A_176 = arith.muli %add3A_174, %mul3A_175 : i32
      %get3A_177 = arith.index_cast %mul3A_176 : i32 to index
      %get3A_178 = tpu.vector_load %arg5[%get3A_177] {strides = array<i32>} : memref<4096xi32, #tpu.memory_space<vmem>>, vector<16xi32>,
      %mul3A_179 = arith.constant 8 : i32
      %mul3A_180 = arith.muli %scan3A_130, %mul3A_179 : i32
      %add3A_181 = arith.constant 6 : i32
      %add3A_182 = arith.addi %mul3A_180, %add3A_181 : i32
      %mul3A_183 = arith.constant 16 : i32
      %mul3A_184 = arith.muli %add3A_182, %mul3A_183 : i32
      %get3A_185 = arith.index_cast %mul3A_184 : i32 to index
      %get3A_186 = tpu.vector_load %arg5[%get3A_185] {strides = array<i32>} : memref<4096xi32, #tpu.memory_space<vmem>>, vector<16xi32>,
      %mul3A_187 = arith.constant 8 : i32
      %mul3A_188 = arith.muli %scan3A_130, %mul3A_187 : i32
      %add3A_189 = arith.constant 7 : i32
      %add3A_190 = arith.addi %mul3A_188, %add3A_189 : i32
      %mul3A_191 = arith.constant 16 : i32
      %mul3A_192 = arith.muli %add3A_190, %mul3A_191 : i32
      %get3A_193 = arith.index_cast %mul3A_192 : i32 to index
      %get3A_194 = tpu.vector_load %arg5[%get3A_193] {strides = array<i32>} : memref<4096xi32, #tpu.memory_space<vmem>>, vector<16xi32>,
      tpu.vector_store_idx %arg9[%get3A_138], %broadcast_in_dim3A_5 {add = true} : memref<100352xi32, #tpu.memory_space<vmem>>[vector<16xi32>], vector<16xi32>,
      tpu.vector_store_idx %arg9[%get3A_146], %broadcast_in_dim3A_5 {add = true} : memref<100352xi32, #tpu.memory_space<vmem>>[vector<16xi32>], vector<16xi32>,
      tpu.vector_store_idx %arg9[%get3A_154], %broadcast_in_dim3A_5 {add = true} : memref<100352xi32, #tpu.memory_space<vmem>>[vector<16xi32>], vector<16xi32>,
      tpu.vector_store_idx %arg9[%get3A_162], %broadcast_in_dim3A_5 {add = true} : memref<100352xi32, #tpu.memory_space<vmem>>[vector<16xi32>], vector<16xi32>,
      tpu.vector_store_idx %arg9[%get3A_170], %broadcast_in_dim3A_5 {add = true} : memref<100352xi32, #tpu.memory_space<vmem>>[vector<16xi32>], vector<16xi32>,
      tpu.vector_store_idx %arg9[%get3A_178], %broadcast_in_dim3A_5 {add = true} : memref<100352xi32, #tpu.memory_space<vmem>>[vector<16xi32>], vector<16xi32>,
      tpu.vector_store_idx %arg9[%get3A_186], %broadcast_in_dim3A_5 {add = true} : memref<100352xi32, #tpu.memory_space<vmem>>[vector<16xi32>], vector<16xi32>,
      tpu.vector_store_idx %arg9[%get3A_194], %broadcast_in_dim3A_5 {add = true} : memref<100352xi32, #tpu.memory_space<vmem>>[vector<16xi32>], vector<16xi32>,
    }
    %scan3A_46 = arith.constant 32 : i32
    %dma_wait3A_47 = tpu.memref_slice %arg2[%mul3A_2] : memref<8388608xi32, #tpu.memory_space<hbm>> -> memref<4096xi32, #tpu.memory_space<hbm>>
    %dma_wait3A_48 = tpu.memref_slice %arg2[%mul3A_2] : memref<8388608xi32, #tpu.memory_space<hbm>> -> memref<4096xi32, #tpu.memory_space<hbm>>
    tpu.wait_dma2 semaphore(%arg12 : memref<!tpu.dma_semaphore, #tpu.memory_space<semaphore_mem>>) src(%dma_wait3A_48 : memref<4096xi32, #tpu.memory_space<hbm>>) dst(%arg6 : memref<4096xi32, #tpu.memory_space<vmem>>)
    %scan3A_49 = arith.constant 0 : i32
    %scan3A_50 = arith.constant 0 : i32
    %scan3A_51 = arith.constant 32 : i32
    %scan3A_52 = arith.addi %scan3A_50, %scan3A_51 : i32
    %scan3A_53 = arith.constant 2 : i32
    scf.for %scan3A_65 = %scan3A_50 to %scan3A_52 step %scan3A_53  : i32 {
      %mul3A_66 = arith.constant 8 : i32
      %mul3A_67 = arith.muli %scan3A_65, %mul3A_66 : i32
      %add3A_68 = arith.constant 0 : i32
      %add3A_69 = arith.addi %mul3A_67, %add3A_68 : i32
      %mul3A_70 = arith.constant 16 : i32
      %mul3A_71 = arith.muli %add3A_69, %mul3A_70 : i32
      %get3A = arith.index_cast %mul3A_71 : i32 to index
      %get3A_72 = tpu.vector_load %arg6[%get3A] {strides = array<i32>} : memref<4096xi32, #tpu.memory_space<vmem>>, vector<16xi32>,
      %mul3A_73 = arith.constant 8 : i32
      %mul3A_74 = arith.muli %scan3A_65, %mul3A_73 : i32
      %add3A_75 = arith.constant 1 : i32
      %add3A_76 = arith.addi %mul3A_74, %add3A_75 : i32
      %mul3A_77 = arith.constant 16 : i32
      %mul3A_78 = arith.muli %add3A_76, %mul3A_77 : i32
      %get3A_79 = arith.index_cast %mul3A_78 : i32 to index
      %get3A_80 = tpu.vector_load %arg6[%get3A_79] {strides = array<i32>} : memref<4096xi32, #tpu.memory_space<vmem>>, vector<16xi32>,
      %mul3A_81 = arith.constant 8 : i32
      %mul3A_82 = arith.muli %scan3A_65, %mul3A_81 : i32
      %add3A_83 = arith.constant 2 : i32
      %add3A_84 = arith.addi %mul3A_82, %add3A_83 : i32
      %mul3A_85 = arith.constant 16 : i32
      %mul3A_86 = arith.muli %add3A_84, %mul3A_85 : i32
      %get3A_87 = arith.index_cast %mul3A_86 : i32 to index
      %get3A_88 = tpu.vector_load %arg6[%get3A_87] {strides = array<i32>} : memref<4096xi32, #tpu.memory_space<vmem>>, vector<16xi32>,
      %mul3A_89 = arith.constant 8 : i32
      %mul3A_90 = arith.muli %scan3A_65, %mul3A_89 : i32
      %add3A_91 = arith.constant 3 : i32
      %add3A_92 = arith.addi %mul3A_90, %add3A_91 : i32
      %mul3A_93 = arith.constant 16 : i32
      %mul3A_94 = arith.muli %add3A_92, %mul3A_93 : i32
      %get3A_95 = arith.index_cast %mul3A_94 : i32 to index
      %get3A_96 = tpu.vector_load %arg6[%get3A_95] {strides = array<i32>} : memref<4096xi32, #tpu.memory_space<vmem>>, vector<16xi32>,
      %mul3A_97 = arith.constant 8 : i32
      %mul3A_98 = arith.muli %scan3A_65, %mul3A_97 : i32
      %add3A_99 = arith.constant 4 : i32
      %add3A_100 = arith.addi %mul3A_98, %add3A_99 : i32
      %mul3A_101 = arith.constant 16 : i32
      %mul3A_102 = arith.muli %add3A_100, %mul3A_101 : i32
      %get3A_103 = arith.index_cast %mul3A_102 : i32 to index
      %get3A_104 = tpu.vector_load %arg6[%get3A_103] {strides = array<i32>} : memref<4096xi32, #tpu.memory_space<vmem>>, vector<16xi32>,
      %mul3A_105 = arith.constant 8 : i32
      %mul3A_106 = arith.muli %scan3A_65, %mul3A_105 : i32
      %add3A_107 = arith.constant 5 : i32
      %add3A_108 = arith.addi %mul3A_106, %add3A_107 : i32
      %mul3A_109 = arith.constant 16 : i32
      %mul3A_110 = arith.muli %add3A_108, %mul3A_109 : i32
      %get3A_111 = arith.index_cast %mul3A_110 : i32 to index
      %get3A_112 = tpu.vector_load %arg6[%get3A_111] {strides = array<i32>} : memref<4096xi32, #tpu.memory_space<vmem>>, vector<16xi32>,
      %mul3A_113 = arith.constant 8 : i32
      %mul3A_114 = arith.muli %scan3A_65, %mul3A_113 : i32
      %add3A_115 = arith.constant 6 : i32
      %add3A_116 = arith.addi %mul3A_114, %add3A_115 : i32
      %mul3A_117 = arith.constant 16 : i32
      %mul3A_118 = arith.muli %add3A_116, %mul3A_117 : i32
      %get3A_119 = arith.index_cast %mul3A_118 : i32 to index
      %get3A_120 = tpu.vector_load %arg6[%get3A_119] {strides = array<i32>} : memref<4096xi32, #tpu.memory_space<vmem>>, vector<16xi32>,
      %mul3A_121 = arith.constant 8 : i32
      %mul3A_122 = arith.muli %scan3A_65, %mul3A_121 : i32
      %add3A_123 = arith.constant 7 : i32
      %add3A_124 = arith.addi %mul3A_122, %add3A_123 : i32
      %mul3A_125 = arith.constant 16 : i32
      %mul3A_126 = arith.muli %add3A_124, %mul3A_125 : i32
      %get3A_127 = arith.index_cast %mul3A_126 : i32 to index
      %get3A_128 = tpu.vector_load %arg6[%get3A_127] {strides = array<i32>} : memref<4096xi32, #tpu.memory_space<vmem>>, vector<16xi32>,
      tpu.vector_store_idx %arg9[%get3A_72], %broadcast_in_dim3A_5 {add = true} : memref<100352xi32, #tpu.memory_space<vmem>>[vector<16xi32>], vector<16xi32>,
      tpu.vector_store_idx %arg9[%get3A_80], %broadcast_in_dim3A_5 {add = true} : memref<100352xi32, #tpu.memory_space<vmem>>[vector<16xi32>], vector<16xi32>,
      tpu.vector_store_idx %arg9[%get3A_88], %broadcast_in_dim3A_5 {add = true} : memref<100352xi32, #tpu.memory_space<vmem>>[vector<16xi32>], vector<16xi32>,
      tpu.vector_store_idx %arg9[%get3A_96], %broadcast_in_dim3A_5 {add = true} : memref<100352xi32, #tpu.memory_space<vmem>>[vector<16xi32>], vector<16xi32>,
      tpu.vector_store_idx %arg9[%get3A_104], %broadcast_in_dim3A_5 {add = true} : memref<100352xi32, #tpu.memory_space<vmem>>[vector<16xi32>], vector<16xi32>,
      tpu.vector_store_idx %arg9[%get3A_112], %broadcast_in_dim3A_5 {add = true} : memref<100352xi32, #tpu.memory_space<vmem>>[vector<16xi32>], vector<16xi32>,
      tpu.vector_store_idx %arg9[%get3A_120], %broadcast_in_dim3A_5 {add = true} : memref<100352xi32, #tpu.memory_space<vmem>>[vector<16xi32>], vector<16xi32>,
      tpu.vector_store_idx %arg9[%get3A_128], %broadcast_in_dim3A_5 {add = true} : memref<100352xi32, #tpu.memory_space<vmem>>[vector<16xi32>], vector<16xi32>,
      %scan3A_129 = arith.constant 1 : i32
      %scan3A_130 = arith.addi %scan3A_65, %scan3A_129 : i32
      %mul3A_131 = arith.constant 8 : i32
      %mul3A_132 = arith.muli %scan3A_130, %mul3A_131 : i32
      %add3A_133 = arith.constant 0 : i32
      %add3A_134 = arith.addi %mul3A_132, %add3A_133 : i32
      %mul3A_135 = arith.constant 16 : i32
      %mul3A_136 = arith.muli %add3A_134, %mul3A_135 : i32
      %get3A_137 = arith.index_cast %mul3A_136 : i32 to index
      %get3A_138 = tpu.vector_load %arg6[%get3A_137] {strides = array<i32>} : memref<4096xi32, #tpu.memory_space<vmem>>, vector<16xi32>,
      %mul3A_139 = arith.constant 8 : i32
      %mul3A_140 = arith.muli %scan3A_130, %mul3A_139 : i32
      %add3A_141 = arith.constant 1 : i32
      %add3A_142 = arith.addi %mul3A_140, %add3A_141 : i32
      %mul3A_143 = arith.constant 16 : i32
      %mul3A_144 = arith.muli %add3A_142, %mul3A_143 : i32
      %get3A_145 = arith.index_cast %mul3A_144 : i32 to index
      %get3A_146 = tpu.vector_load %arg6[%get3A_145] {strides = array<i32>} : memref<4096xi32, #tpu.memory_space<vmem>>, vector<16xi32>,
      %mul3A_147 = arith.constant 8 : i32
      %mul3A_148 = arith.muli %scan3A_130, %mul3A_147 : i32
      %add3A_149 = arith.constant 2 : i32
      %add3A_150 = arith.addi %mul3A_148, %add3A_149 : i32
      %mul3A_151 = arith.constant 16 : i32
      %mul3A_152 = arith.muli %add3A_150, %mul3A_151 : i32
      %get3A_153 = arith.index_cast %mul3A_152 : i32 to index
      %get3A_154 = tpu.vector_load %arg6[%get3A_153] {strides = array<i32>} : memref<4096xi32, #tpu.memory_space<vmem>>, vector<16xi32>,
      %mul3A_155 = arith.constant 8 : i32
      %mul3A_156 = arith.muli %scan3A_130, %mul3A_155 : i32
      %add3A_157 = arith.constant 3 : i32
      %add3A_158 = arith.addi %mul3A_156, %add3A_157 : i32
      %mul3A_159 = arith.constant 16 : i32
      %mul3A_160 = arith.muli %add3A_158, %mul3A_159 : i32
      %get3A_161 = arith.index_cast %mul3A_160 : i32 to index
      %get3A_162 = tpu.vector_load %arg6[%get3A_161] {strides = array<i32>} : memref<4096xi32, #tpu.memory_space<vmem>>, vector<16xi32>,
      %mul3A_163 = arith.constant 8 : i32
      %mul3A_164 = arith.muli %scan3A_130, %mul3A_163 : i32
      %add3A_165 = arith.constant 4 : i32
      %add3A_166 = arith.addi %mul3A_164, %add3A_165 : i32
      %mul3A_167 = arith.constant 16 : i32
      %mul3A_168 = arith.muli %add3A_166, %mul3A_167 : i32
      %get3A_169 = arith.index_cast %mul3A_168 : i32 to index
      %get3A_170 = tpu.vector_load %arg6[%get3A_169] {strides = array<i32>} : memref<4096xi32, #tpu.memory_space<vmem>>, vector<16xi32>,
      %mul3A_171 = arith.constant 8 : i32
      %mul3A_172 = arith.muli %scan3A_130, %mul3A_171 : i32
      %add3A_173 = arith.constant 5 : i32
      %add3A_174 = arith.addi %mul3A_172, %add3A_173 : i32
      %mul3A_175 = arith.constant 16 : i32
      %mul3A_176 = arith.muli %add3A_174, %mul3A_175 : i32
      %get3A_177 = arith.index_cast %mul3A_176 : i32 to index
      %get3A_178 = tpu.vector_load %arg6[%get3A_177] {strides = array<i32>} : memref<4096xi32, #tpu.memory_space<vmem>>, vector<16xi32>,
      %mul3A_179 = arith.constant 8 : i32
      %mul3A_180 = arith.muli %scan3A_130, %mul3A_179 : i32
      %add3A_181 = arith.constant 6 : i32
      %add3A_182 = arith.addi %mul3A_180, %add3A_181 : i32
      %mul3A_183 = arith.constant 16 : i32
      %mul3A_184 = arith.muli %add3A_182, %mul3A_183 : i32
      %get3A_185 = arith.index_cast %mul3A_184 : i32 to index
      %get3A_186 = tpu.vector_load %arg6[%get3A_185] {strides = array<i32>} : memref<4096xi32, #tpu.memory_space<vmem>>, vector<16xi32>,
      %mul3A_187 = arith.constant 8 : i32
      %mul3A_188 = arith.muli %scan3A_130, %mul3A_187 : i32
      %add3A_189 = arith.constant 7 : i32
      %add3A_190 = arith.addi %mul3A_188, %add3A_189 : i32
      %mul3A_191 = arith.constant 16 : i32
      %mul3A_192 = arith.muli %add3A_190, %mul3A_191 : i32
      %get3A_193 = arith.index_cast %mul3A_192 : i32 to index
      %get3A_194 = tpu.vector_load %arg6[%get3A_193] {strides = array<i32>} : memref<4096xi32, #tpu.memory_space<vmem>>, vector<16xi32>,
      tpu.vector_store_idx %arg9[%get3A_138], %broadcast_in_dim3A_5 {add = true} : memref<100352xi32, #tpu.memory_space<vmem>>[vector<16xi32>], vector<16xi32>,
      tpu.vector_store_idx %arg9[%get3A_146], %broadcast_in_dim3A_5 {add = true} : memref<100352xi32, #tpu.memory_space<vmem>>[vector<16xi32>], vector<16xi32>,
      tpu.vector_store_idx %arg9[%get3A_154], %broadcast_in_dim3A_5 {add = true} : memref<100352xi32, #tpu.memory_space<vmem>>[vector<16xi32>], vector<16xi32>,
      tpu.vector_store_idx %arg9[%get3A_162], %broadcast_in_dim3A_5 {add = true} : memref<100352xi32, #tpu.memory_space<vmem>>[vector<16xi32>], vector<16xi32>,
      tpu.vector_store_idx %arg9[%get3A_170], %broadcast_in_dim3A_5 {add = true} : memref<100352xi32, #tpu.memory_space<vmem>>[vector<16xi32>], vector<16xi32>,
      tpu.vector_store_idx %arg9[%get3A_178], %broadcast_in_dim3A_5 {add = true} : memref<100352xi32, #tpu.memory_space<vmem>>[vector<16xi32>], vector<16xi32>,
      tpu.vector_store_idx %arg9[%get3A_186], %broadcast_in_dim3A_5 {add = true} : memref<100352xi32, #tpu.memory_space<vmem>>[vector<16xi32>], vector<16xi32>,
      tpu.vector_store_idx %arg9[%get3A_194], %broadcast_in_dim3A_5 {add = true} : memref<100352xi32, #tpu.memory_space<vmem>>[vector<16xi32>], vector<16xi32>,
    }
    %scan3A_54 = arith.constant 32 : i32
    %dma_wait3A_55 = tpu.memref_slice %arg2[%mul3A_2] : memref<8388608xi32, #tpu.memory_space<hbm>> -> memref<4096xi32, #tpu.memory_space<hbm>>
    %dma_wait3A_56 = tpu.memref_slice %arg2[%mul3A_2] : memref<8388608xi32, #tpu.memory_space<hbm>> -> memref<4096xi32, #tpu.memory_space<hbm>>
    tpu.wait_dma2 semaphore(%arg13 : memref<!tpu.dma_semaphore, #tpu.memory_space<semaphore_mem>>) src(%dma_wait3A_56 : memref<4096xi32, #tpu.memory_space<hbm>>) dst(%arg7 : memref<4096xi32, #tpu.memory_space<vmem>>)
    %scan3A_57 = arith.constant 0 : i32
    %scan3A_58 = arith.constant 0 : i32
    %scan3A_59 = arith.constant 32 : i32
    %scan3A_60 = arith.addi %scan3A_58, %scan3A_59 : i32
    %scan3A_61 = arith.constant 2 : i32
    scf.for %scan3A_65 = %scan3A_58 to %scan3A_60 step %scan3A_61  : i32 {
      %mul3A_66 = arith.constant 8 : i32
      %mul3A_67 = arith.muli %scan3A_65, %mul3A_66 : i32
      %add3A_68 = arith.constant 0 : i32
      %add3A_69 = arith.addi %mul3A_67, %add3A_68 : i32
      %mul3A_70 = arith.constant 16 : i32
      %mul3A_71 = arith.muli %add3A_69, %mul3A_70 : i32
      %get3A = arith.index_cast %mul3A_71 : i32 to index
      %get3A_72 = tpu.vector_load %arg7[%get3A] {strides = array<i32>} : memref<4096xi32, #tpu.memory_space<vmem>>, vector<16xi32>,
      %mul3A_73 = arith.constant 8 : i32
      %mul3A_74 = arith.muli %scan3A_65, %mul3A_73 : i32
      %add3A_75 = arith.constant 1 : i32
      %add3A_76 = arith.addi %mul3A_74, %add3A_75 : i32
      %mul3A_77 = arith.constant 16 : i32
      %mul3A_78 = arith.muli %add3A_76, %mul3A_77 : i32
      %get3A_79 = arith.index_cast %mul3A_78 : i32 to index
      %get3A_80 = tpu.vector_load %arg7[%get3A_79] {strides = array<i32>} : memref<4096xi32, #tpu.memory_space<vmem>>, vector<16xi32>,
      %mul3A_81 = arith.constant 8 : i32
      %mul3A_82 = arith.muli %scan3A_65, %mul3A_81 : i32
      %add3A_83 = arith.constant 2 : i32
      %add3A_84 = arith.addi %mul3A_82, %add3A_83 : i32
      %mul3A_85 = arith.constant 16 : i32
      %mul3A_86 = arith.muli %add3A_84, %mul3A_85 : i32
      %get3A_87 = arith.index_cast %mul3A_86 : i32 to index
      %get3A_88 = tpu.vector_load %arg7[%get3A_87] {strides = array<i32>} : memref<4096xi32, #tpu.memory_space<vmem>>, vector<16xi32>,
      %mul3A_89 = arith.constant 8 : i32
      %mul3A_90 = arith.muli %scan3A_65, %mul3A_89 : i32
      %add3A_91 = arith.constant 3 : i32
      %add3A_92 = arith.addi %mul3A_90, %add3A_91 : i32
      %mul3A_93 = arith.constant 16 : i32
      %mul3A_94 = arith.muli %add3A_92, %mul3A_93 : i32
      %get3A_95 = arith.index_cast %mul3A_94 : i32 to index
      %get3A_96 = tpu.vector_load %arg7[%get3A_95] {strides = array<i32>} : memref<4096xi32, #tpu.memory_space<vmem>>, vector<16xi32>,
      %mul3A_97 = arith.constant 8 : i32
      %mul3A_98 = arith.muli %scan3A_65, %mul3A_97 : i32
      %add3A_99 = arith.constant 4 : i32
      %add3A_100 = arith.addi %mul3A_98, %add3A_99 : i32
      %mul3A_101 = arith.constant 16 : i32
      %mul3A_102 = arith.muli %add3A_100, %mul3A_101 : i32
      %get3A_103 = arith.index_cast %mul3A_102 : i32 to index
      %get3A_104 = tpu.vector_load %arg7[%get3A_103] {strides = array<i32>} : memref<4096xi32, #tpu.memory_space<vmem>>, vector<16xi32>,
      %mul3A_105 = arith.constant 8 : i32
      %mul3A_106 = arith.muli %scan3A_65, %mul3A_105 : i32
      %add3A_107 = arith.constant 5 : i32
      %add3A_108 = arith.addi %mul3A_106, %add3A_107 : i32
      %mul3A_109 = arith.constant 16 : i32
      %mul3A_110 = arith.muli %add3A_108, %mul3A_109 : i32
      %get3A_111 = arith.index_cast %mul3A_110 : i32 to index
      %get3A_112 = tpu.vector_load %arg7[%get3A_111] {strides = array<i32>} : memref<4096xi32, #tpu.memory_space<vmem>>, vector<16xi32>,
      %mul3A_113 = arith.constant 8 : i32
      %mul3A_114 = arith.muli %scan3A_65, %mul3A_113 : i32
      %add3A_115 = arith.constant 6 : i32
      %add3A_116 = arith.addi %mul3A_114, %add3A_115 : i32
      %mul3A_117 = arith.constant 16 : i32
      %mul3A_118 = arith.muli %add3A_116, %mul3A_117 : i32
      %get3A_119 = arith.index_cast %mul3A_118 : i32 to index
      %get3A_120 = tpu.vector_load %arg7[%get3A_119] {strides = array<i32>} : memref<4096xi32, #tpu.memory_space<vmem>>, vector<16xi32>,
      %mul3A_121 = arith.constant 8 : i32
      %mul3A_122 = arith.muli %scan3A_65, %mul3A_121 : i32
      %add3A_123 = arith.constant 7 : i32
      %add3A_124 = arith.addi %mul3A_122, %add3A_123 : i32
      %mul3A_125 = arith.constant 16 : i32
      %mul3A_126 = arith.muli %add3A_124, %mul3A_125 : i32
      %get3A_127 = arith.index_cast %mul3A_126 : i32 to index
      %get3A_128 = tpu.vector_load %arg7[%get3A_127] {strides = array<i32>} : memref<4096xi32, #tpu.memory_space<vmem>>, vector<16xi32>,
      tpu.vector_store_idx %arg9[%get3A_72], %broadcast_in_dim3A_5 {add = true} : memref<100352xi32, #tpu.memory_space<vmem>>[vector<16xi32>], vector<16xi32>,
      tpu.vector_store_idx %arg9[%get3A_80], %broadcast_in_dim3A_5 {add = true} : memref<100352xi32, #tpu.memory_space<vmem>>[vector<16xi32>], vector<16xi32>,
      tpu.vector_store_idx %arg9[%get3A_88], %broadcast_in_dim3A_5 {add = true} : memref<100352xi32, #tpu.memory_space<vmem>>[vector<16xi32>], vector<16xi32>,
      tpu.vector_store_idx %arg9[%get3A_96], %broadcast_in_dim3A_5 {add = true} : memref<100352xi32, #tpu.memory_space<vmem>>[vector<16xi32>], vector<16xi32>,
      tpu.vector_store_idx %arg9[%get3A_104], %broadcast_in_dim3A_5 {add = true} : memref<100352xi32, #tpu.memory_space<vmem>>[vector<16xi32>], vector<16xi32>,
      tpu.vector_store_idx %arg9[%get3A_112], %broadcast_in_dim3A_5 {add = true} : memref<100352xi32, #tpu.memory_space<vmem>>[vector<16xi32>], vector<16xi32>,
      tpu.vector_store_idx %arg9[%get3A_120], %broadcast_in_dim3A_5 {add = true} : memref<100352xi32, #tpu.memory_space<vmem>>[vector<16xi32>], vector<16xi32>,
      tpu.vector_store_idx %arg9[%get3A_128], %broadcast_in_dim3A_5 {add = true} : memref<100352xi32, #tpu.memory_space<vmem>>[vector<16xi32>], vector<16xi32>,
      %scan3A_129 = arith.constant 1 : i32
      %scan3A_130 = arith.addi %scan3A_65, %scan3A_129 : i32
      %mul3A_131 = arith.constant 8 : i32
      %mul3A_132 = arith.muli %scan3A_130, %mul3A_131 : i32
      %add3A_133 = arith.constant 0 : i32
      %add3A_134 = arith.addi %mul3A_132, %add3A_133 : i32
      %mul3A_135 = arith.constant 16 : i32
      %mul3A_136 = arith.muli %add3A_134, %mul3A_135 : i32
      %get3A_137 = arith.index_cast %mul3A_136 : i32 to index
      %get3A_138 = tpu.vector_load %arg7[%get3A_137] {strides = array<i32>} : memref<4096xi32, #tpu.memory_space<vmem>>, vector<16xi32>,
      %mul3A_139 = arith.constant 8 : i32
      %mul3A_140 = arith.muli %scan3A_130, %mul3A_139 : i32
      %add3A_141 = arith.constant 1 : i32
      %add3A_142 = arith.addi %mul3A_140, %add3A_141 : i32
      %mul3A_143 = arith.constant 16 : i32
      %mul3A_144 = arith.muli %add3A_142, %mul3A_143 : i32
      %get3A_145 = arith.index_cast %mul3A_144 : i32 to index
      %get3A_146 = tpu.vector_load %arg7[%get3A_145] {strides = array<i32>} : memref<4096xi32, #tpu.memory_space<vmem>>, vector<16xi32>,
      %mul3A_147 = arith.constant 8 : i32
      %mul3A_148 = arith.muli %scan3A_130, %mul3A_147 : i32
      %add3A_149 = arith.constant 2 : i32
      %add3A_150 = arith.addi %mul3A_148, %add3A_149 : i32
      %mul3A_151 = arith.constant 16 : i32
      %mul3A_152 = arith.muli %add3A_150, %mul3A_151 : i32
      %get3A_153 = arith.index_cast %mul3A_152 : i32 to index
      %get3A_154 = tpu.vector_load %arg7[%get3A_153] {strides = array<i32>} : memref<4096xi32, #tpu.memory_space<vmem>>, vector<16xi32>,
      %mul3A_155 = arith.constant 8 : i32
      %mul3A_156 = arith.muli %scan3A_130, %mul3A_155 : i32
      %add3A_157 = arith.constant 3 : i32
      %add3A_158 = arith.addi %mul3A_156, %add3A_157 : i32
      %mul3A_159 = arith.constant 16 : i32
      %mul3A_160 = arith.muli %add3A_158, %mul3A_159 : i32
      %get3A_161 = arith.index_cast %mul3A_160 : i32 to index
      %get3A_162 = tpu.vector_load %arg7[%get3A_161] {strides = array<i32>} : memref<4096xi32, #tpu.memory_space<vmem>>, vector<16xi32>,
      %mul3A_163 = arith.constant 8 : i32
      %mul3A_164 = arith.muli %scan3A_130, %mul3A_163 : i32
      %add3A_165 = arith.constant 4 : i32
      %add3A_166 = arith.addi %mul3A_164, %add3A_165 : i32
      %mul3A_167 = arith.constant 16 : i32
      %mul3A_168 = arith.muli %add3A_166, %mul3A_167 : i32
      %get3A_169 = arith.index_cast %mul3A_168 : i32 to index
      %get3A_170 = tpu.vector_load %arg7[%get3A_169] {strides = array<i32>} : memref<4096xi32, #tpu.memory_space<vmem>>, vector<16xi32>,
      %mul3A_171 = arith.constant 8 : i32
      %mul3A_172 = arith.muli %scan3A_130, %mul3A_171 : i32
      %add3A_173 = arith.constant 5 : i32
      %add3A_174 = arith.addi %mul3A_172, %add3A_173 : i32
      %mul3A_175 = arith.constant 16 : i32
      %mul3A_176 = arith.muli %add3A_174, %mul3A_175 : i32
      %get3A_177 = arith.index_cast %mul3A_176 : i32 to index
      %get3A_178 = tpu.vector_load %arg7[%get3A_177] {strides = array<i32>} : memref<4096xi32, #tpu.memory_space<vmem>>, vector<16xi32>,
      %mul3A_179 = arith.constant 8 : i32
      %mul3A_180 = arith.muli %scan3A_130, %mul3A_179 : i32
      %add3A_181 = arith.constant 6 : i32
      %add3A_182 = arith.addi %mul3A_180, %add3A_181 : i32
      %mul3A_183 = arith.constant 16 : i32
      %mul3A_184 = arith.muli %add3A_182, %mul3A_183 : i32
      %get3A_185 = arith.index_cast %mul3A_184 : i32 to index
      %get3A_186 = tpu.vector_load %arg7[%get3A_185] {strides = array<i32>} : memref<4096xi32, #tpu.memory_space<vmem>>, vector<16xi32>,
      %mul3A_187 = arith.constant 8 : i32
      %mul3A_188 = arith.muli %scan3A_130, %mul3A_187 : i32
      %add3A_189 = arith.constant 7 : i32
      %add3A_190 = arith.addi %mul3A_188, %add3A_189 : i32
      %mul3A_191 = arith.constant 16 : i32
      %mul3A_192 = arith.muli %add3A_190, %mul3A_191 : i32
      %get3A_193 = arith.index_cast %mul3A_192 : i32 to index
      %get3A_194 = tpu.vector_load %arg7[%get3A_193] {strides = array<i32>} : memref<4096xi32, #tpu.memory_space<vmem>>, vector<16xi32>,
      tpu.vector_store_idx %arg9[%get3A_138], %broadcast_in_dim3A_5 {add = true} : memref<100352xi32, #tpu.memory_space<vmem>>[vector<16xi32>], vector<16xi32>,
      tpu.vector_store_idx %arg9[%get3A_146], %broadcast_in_dim3A_5 {add = true} : memref<100352xi32, #tpu.memory_space<vmem>>[vector<16xi32>], vector<16xi32>,
      tpu.vector_store_idx %arg9[%get3A_154], %broadcast_in_dim3A_5 {add = true} : memref<100352xi32, #tpu.memory_space<vmem>>[vector<16xi32>], vector<16xi32>,
      tpu.vector_store_idx %arg9[%get3A_162], %broadcast_in_dim3A_5 {add = true} : memref<100352xi32, #tpu.memory_space<vmem>>[vector<16xi32>], vector<16xi32>,
      tpu.vector_store_idx %arg9[%get3A_170], %broadcast_in_dim3A_5 {add = true} : memref<100352xi32, #tpu.memory_space<vmem>>[vector<16xi32>], vector<16xi32>,
      tpu.vector_store_idx %arg9[%get3A_178], %broadcast_in_dim3A_5 {add = true} : memref<100352xi32, #tpu.memory_space<vmem>>[vector<16xi32>], vector<16xi32>,
      tpu.vector_store_idx %arg9[%get3A_186], %broadcast_in_dim3A_5 {add = true} : memref<100352xi32, #tpu.memory_space<vmem>>[vector<16xi32>], vector<16xi32>,
      tpu.vector_store_idx %arg9[%get3A_194], %broadcast_in_dim3A_5 {add = true} : memref<100352xi32, #tpu.memory_space<vmem>>[vector<16xi32>], vector<16xi32>,
    }
    %scan3A_62 = arith.constant 32 : i32
    %mul3A_63 = arith.constant 100352 : i32
    %mul3A_64 = arith.muli %add3A, %mul3A_63 : i32
    "tpu.region"() ({
      %run_scoped3A = tpu.sem_alloc : memref<!tpu.dma_semaphore, #tpu.memory_space<semaphore_mem>>
      %dma_start3A_65 = tpu.memref_slice %arg3[%mul3A_64] : memref<3211264xi32, #tpu.memory_space<hbm>> -> memref<100352xi32, #tpu.memory_space<hbm>>
      %dma_start3A_66 = tpu.memref_slice %arg3[%mul3A_64] : memref<3211264xi32, #tpu.memory_space<hbm>> -> memref<100352xi32, #tpu.memory_space<hbm>>
      tpu.enqueue_dma source(%arg9 : memref<100352xi32, #tpu.memory_space<vmem>>) target(%dma_start3A_66 : memref<100352xi32, #tpu.memory_space<hbm>>) target_semaphore(%run_scoped3A : memref<!tpu.dma_semaphore, #tpu.memory_space<semaphore_mem>>)
      %dma_wait3A_67 = tpu.memref_slice %arg3[%mul3A_64] : memref<3211264xi32, #tpu.memory_space<hbm>> -> memref<100352xi32, #tpu.memory_space<hbm>>
      %dma_wait3A_68 = tpu.memref_slice %arg3[%mul3A_64] : memref<3211264xi32, #tpu.memory_space<hbm>> -> memref<100352xi32, #tpu.memory_space<hbm>>
      tpu.wait_dma2 semaphore(%run_scoped3A : memref<!tpu.dma_semaphore, #tpu.memory_space<semaphore_mem>>) src(%arg9 : memref<100352xi32, #tpu.memory_space<vmem>>) dst(%dma_wait3A_68 : memref<100352xi32, #tpu.memory_space<hbm>>)
      tpu.yield
    }) : () -> ()
    return
  }
}

module attributes {stable_mosaic.version = 14 : i64} {
  func.func @_tc_merge_body(%arg0: memref<32x784x128xi32, #tpu.memory_space<vmem>>, %arg1: memref<100000xi32, #tpu.memory_space<vmem>>, %arg2: memref<100001xi32, #tpu.memory_space<vmem>>, %arg3: memref<1x1xi32, #tpu.memory_space<smem>>, %arg4: memref<1x1xi32, #tpu.memory_space<smem>>) attributes {dimension_semantics = [], scalar_prefetch = 0 : i64, scratch_operands = 0 : i64, tpu.core_type = #tpu.core_type<tc>} {
    %get3A = arith.constant 0 : index
    %get3A_0 = arith.constant 0 : index
    %get3A_1 = arith.constant 0 : index
    %get3A_2 = vector.load %arg0[%get3A, %get3A_0, %get3A_1] : memref<32x784x128xi32, #tpu.memory_space<vmem>>, vector<32x784x128xi32>
    %reduce_sum3A = arith.constant dense<0> : vector<784x128xi32>
    %reduce_sum3A_3 = vector.multi_reduction <add>, %get3A_2, %reduce_sum3A [0] : vector<32x784x128xi32> to vector<784x128xi32>
    %iota3A = tpu.iota {dimensions = array<i32: 0>} : vector<784x128xi32>
    %iota3A_4 = tpu.iota {dimensions = array<i32: 1>} : vector<784x128xi32>
    %mul3A = arith.constant 128 : i32
    %mul3A_5 = vector.broadcast %mul3A : i32 to vector<784x128xi32>
    %mul3A_6 = arith.muli %iota3A, %mul3A_5 : vector<784x128xi32>
    %add3A = arith.addi %mul3A_6, %iota3A_4 : vector<784x128xi32>
    %reshape3A = vector.shape_cast %reduce_sum3A_3 : vector<784x128xi32> to vector<100352xi32>
    %slice3A = vector.extract_strided_slice %reshape3A {offsets = [0], sizes = [100000], strides = [1]} : vector<100352xi32> to vector<100000xi32>
    %swap3A = arith.constant 0 : index
    %swap3A_7 = vector.load %arg1[%swap3A] : memref<100000xi32, #tpu.memory_space<vmem>>, vector<100000xi32>
    tpu.vector_store %arg1[%swap3A], %slice3A {strides = array<i32>} : memref<100000xi32, #tpu.memory_space<vmem>>, vector<100000xi32>,
    %reshape3A_8 = vector.shape_cast %add3A : vector<784x128xi32> to vector<100352xi32>
    %slice3A_9 = vector.extract_strided_slice %reshape3A_8 {offsets = [0], sizes = [100001], strides = [1]} : vector<100352xi32> to vector<100001xi32>
    %swap3A_10 = arith.constant 0 : index
    %swap3A_11 = vector.load %arg2[%swap3A_10] : memref<100001xi32, #tpu.memory_space<vmem>>, vector<100001xi32>
    tpu.vector_store %arg2[%swap3A_10], %slice3A_9 {strides = array<i32>} : memref<100001xi32, #tpu.memory_space<vmem>>, vector<100001xi32>,
    %mul3A_12 = arith.muli %reduce_sum3A_3, %add3A : vector<784x128xi32>
    %reduce_sum3A_13 = vector.shape_cast %mul3A_12 : vector<784x128xi32> to vector<1x784x128xi32>
    %reduce_sum3A_14 = arith.constant dense<0> : vector<1xi32>
    %reduce_sum3A_15 = vector.multi_reduction <add>, %reduce_sum3A_13, %reduce_sum3A_14 [1, 2] : vector<1x784x128xi32> to vector<1xi32>
    %reduce_sum3A_16 = vector.shape_cast %reduce_sum3A_15 : vector<1xi32> to vector<1x1x1xi32>
    %reduce_sum3A_17 = vector.extract %reduce_sum3A_16[0, 0, 0] : i32 from vector<1x1x1xi32>
    %swap3A_18 = arith.constant 0 : index
    %swap3A_19 = arith.constant 0 : index
    %swap3A_20 = memref.load %arg3[%swap3A_18, %swap3A_19] : memref<1x1xi32, #tpu.memory_space<smem>>
    memref.store %reduce_sum3A_17, %arg3[%swap3A_18, %swap3A_19] : memref<1x1xi32, #tpu.memory_space<smem>>
    %mul3A_21 = arith.muli %add3A, %add3A : vector<784x128xi32>
    %mul3A_22 = arith.muli %reduce_sum3A_3, %mul3A_21 : vector<784x128xi32>
    %reduce_sum3A_23 = vector.shape_cast %mul3A_22 : vector<784x128xi32> to vector<1x784x128xi32>
    %reduce_sum3A_24 = arith.constant dense<0> : vector<1xi32>
    %reduce_sum3A_25 = vector.multi_reduction <add>, %reduce_sum3A_23, %reduce_sum3A_24 [1, 2] : vector<1x784x128xi32> to vector<1xi32>
    %reduce_sum3A_26 = vector.shape_cast %reduce_sum3A_25 : vector<1xi32> to vector<1x1x1xi32>
    %reduce_sum3A_27 = vector.extract %reduce_sum3A_26[0, 0, 0] : i32 from vector<1x1x1xi32>
    %swap3A_28 = arith.constant 0 : index
    %swap3A_29 = arith.constant 0 : index
    %swap3A_30 = memref.load %arg4[%swap3A_28, %swap3A_29] : memref<1x1xi32, #tpu.memory_space<smem>>
    memref.store %reduce_sum3A_27, %arg4[%swap3A_28, %swap3A_29] : memref<1x1xi32, #tpu.memory_space<smem>>
    return
  }
}

</mosaic_0001>

<sc_bundles>
// kernel: kernel.4.cloned.1.call-start
scs
__scs_entry_jumppad:
0x0: {  	(pc) =	sbr.rel $0x88, $3  }
0x1: {  	(tag) =	ssettag $0x0;
	lr =	simm.s32 $0x1  }
0x2: {  	[smem:$0x3F9F] =	sst lr;
	_ =	strace $0xD0000000  }
0x3: {  	_ = 	snop  }
0x4: {  	_ = 	snop  }
0x5: {  	_ = 	snop  }
0x6: {  	_ = 	snop  }
0x7: {  	_ = 	snop  }
__scs_overlays_trampoline_lowered:
0x8: {  	[smem:$0x3FAE] =	sst s0  }
0x9: {  	[smem:$0x3FAF] =	sst s1  }
0xa: {  	[smem:$0x3FB0] =	sst s2  }
0xb: {  	[smem:$0x3FB1] =	sst s3  }
0xc: {  	[smem:$0x3FB2] =	sst s4  }
0xd: {  	[smem:$0x3FB3] =	sst s5  }
0xe: {  	[smem:$0x3FB4] =	sst s6  }
0xf: {  	[smem:$0x3FB5] =	sst s7  }
0x10: {  	[smem:$0x3FB6] =	sst s8  }
0x11: {  	[smem:$0x3FB7] =	sst s9;
	s0 =	simm.s32 @!p0 $0x0  }
0x12: {  	s1 =	sld [smem:$0x3F9D];
	s0 =	simm.s32 @p0 $0x1  }
0x13: {  	[smem:$0x3FB8] =	sst s0;
	s0 =	simm.s32 @!p1 $0x0  }
0x14: {  	s2 =	sld [smem:$0x3F9C];
	s0 =	simm.s32 @p1 $0x1  }
0x15: {  	[smem:$0x3FB9] =	sst s0;
	s0 =	simm.s32 @!p2 $0x0  }
0x16: {  	s3 =	sld [smem:$0x3FDB];
	s0 =	simm.s32 @p2 $0x1  }
0x17: {  	s4 =	simm.s32 $0x1BF5;
	[smem:$0x3FBB] =	sst s0  }
0x18: {  	s0 =	sld [smem:$0x3F9E];
	_ =	swait.ge [sflag:s4], $0x0  }
0x19: {  	s7 =	sld [smem:$0x3F9F]  }
0x1a: {  	s8 =	sadd.s32 $0xFFFFE003, lr  }
0x1b: {  	s9 =	sadd.s32 $0xFFFFFEF7, lr;
	s5 =	simm.s32 $0xFFFFFFFF;
	p2 =	slt.u32 s8, $0xFFFFF086  }
0x1c: {  	p1 =	slt.u32 s9, $0xF7A;
	s5 =	simm.s32 @!p2 $0x0  }
0x1d: {  	s5 =	simm.s32 @p1 $0x1;
	p0 =	seq.s32 s7, s2  }
0x1e: {  	s7 =	smul.u32 @!p0 $0xF7A, s2;
	p2 =	seq.s32 @!p0 s5, $0x0  }
0x1f: {  	s9 =	smul.u32 $0xF7A, s1;
	s8 =	simm.s32 @!p0 $0x1BF5;
	p2 =	por !p2, p0  }
0x20: {  	[sflag:s8] =	ssyncset.s32 @!p0 $0xFFFFF086;
	s6 =	sadd.s32 @!p0 s3, s7;
	s7 =	simm.s32 @!p0 $0x108  }
0x21: {  	s3 =	sadd.s32 s3, s9;
	s6 =	sadd.s32 @!p0 $0x88, s6;
	s7 =	simm.s32 @p2 $0x1082  }
0x22: {  	[simem:s7], [sflag:s8] =	dma.local @!p0 [hbm:s6], $0xF7A  }
0x23: {  	s9 =	sor.u32 $0xD0000000, s2;
	s6 =	simm.s32 $0x108;
	_ =	swait.ge @!p0 [sflag:s8], $0x0  }
0x24: {  	s3 =	sadd.s32 $0x88, s3;
	s6 =	simm.s32 @!p1 $0x1082;
	[sflag:s4] =	ssyncset.s32 $0xFFFFF086  }
0x25: {  	[simem:s6], [sflag:s4] =	dma.local [hbm:s3], $0xF7A  }
0x26: {  	[smem:$0x3F9F] =	sst s1;
	(tag) =	ssettag s2;
	_ =	strace s9  }
0x27: {  	s1 =	sld [smem:$0x3FAF]  }
0x28: {  	s2 =	sld [smem:$0x3FB0]  }
0x29: {  	s4 =	sld [smem:$0x3FB2]  }
0x2a: {  	p0 =	seq.s32 s5, $0x0;
	s5 =	sld [smem:$0x3FB3]  }
0x2b: {  	s6 =	sld [smem:$0x3FB4]  }
0x2c: {  	s7 =	sld [smem:$0x3FB5]  }
0x2d: {  	s3 =	simm.s32 $0x108;
	s8 =	sld [smem:$0x3FB6]  }
0x2e: {  	s3 =	simm.s32 @!p0 $0x1082;
	s9 =	sld [smem:$0x3FB7]  }
0x2f: {  	lr =	sadd.s32 s0, s3;
	s0 =	sld [smem:$0x3FAE]  }
0x30: {  	s3 =	sld [smem:$0x3FB1]  }
0x31: {  	[smem:$0x3FBA] =	sst s10  }
0x32: {  	s10 =	sld [smem:$0x3FB8];
	_ =	sdelay $0x3  }
0x33: {  	p0 =	seq.s32 s10, $0x1;
	s10 =	sld [smem:$0x3FBA];
	_ =	sdelay $0x3  }
0x34: {  	[smem:$0x3FBA] =	sst s10  }
0x35: {  	s10 =	sld [smem:$0x3FB9];
	_ =	sdelay $0x3  }
0x36: {  	p1 =	seq.s32 s10, $0x1;
	s10 =	sld [smem:$0x3FBA];
	_ =	sdelay $0x3  }
0x37: {  	[smem:$0x3FBA] =	sst s10  }
0x38: {  	s10 =	sld [smem:$0x3FBB]  }
0x39: {  	_ = 	snop;
	(pc) =	sbr.ind lr, $3  }
0x3a: {  	_ = 	snop  }
0x3b: {  	_ = 	snop  }
0x3c: {  	p2 =	seq.s32 s10, $0x1;
	s10 =	sld [smem:$0x3FBA]  }
0x3d: {  	_ =	shalt  }
0x3e: {  	_ =	shalt  }
0x3f: {  	_ =	shalt  }
0x40: {  	_ =	shalt  }
0x41: {  	_ =	shalt  }
0x42: {  	_ =	shalt  }
0x43: {  	_ =	shalt  }
0x44: {  	_ =	shalt  }
0x45: {  	_ =	shalt  }
0x46: {  	_ =	shalt  }
0x47: {  	_ =	shalt  }
0x48: {  	_ =	shalt  }
0x49: {  	_ =	shalt  }
0x4a: {  	_ =	shalt  }
0x4b: {  	_ =	shalt  }
0x4c: {  	_ =	shalt  }
0x4d: {  	_ =	shalt  }
0x4e: {  	_ =	shalt  }
0x4f: {  	_ =	shalt  }
0x50: {  	_ =	shalt  }
0x51: {  	_ =	shalt  }
0x52: {  	_ =	shalt  }
0x53: {  	_ =	shalt  }
0x54: {  	_ =	shalt  }
0x55: {  	_ =	shalt  }
0x56: {  	_ =	shalt  }
0x57: {  	_ =	shalt  }
0x58: {  	_ =	shalt  }
0x59: {  	_ =	shalt  }
0x5a: {  	_ =	shalt  }
0x5b: {  	_ =	shalt  }
0x5c: {  	_ =	shalt  }
0x5d: {  	_ =	shalt  }
0x5e: {  	_ =	shalt  }
0x5f: {  	_ =	shalt  }
0x60: {  	_ =	shalt  }
0x61: {  	_ =	shalt  }
0x62: {  	_ =	shalt  }
0x63: {  	_ =	shalt  }
0x64: {  	_ =	shalt  }
0x65: {  	_ =	shalt  }
0x66: {  	_ =	shalt  }
0x67: {  	_ =	shalt  }
0x68: {  	_ =	shalt  }
0x69: {  	_ =	shalt  }
0x6a: {  	_ =	shalt  }
0x6b: {  	_ =	shalt  }
0x6c: {  	_ =	shalt  }
0x6d: {  	_ =	shalt  }
0x6e: {  	_ =	shalt  }
0x6f: {  	_ =	shalt  }
0x70: {  	_ =	shalt  }
0x71: {  	_ =	shalt  }
0x72: {  	_ =	shalt  }
0x73: {  	_ =	shalt  }
0x74: {  	_ =	shalt  }
0x75: {  	_ =	shalt  }
0x76: {  	_ =	shalt  }
0x77: {  	_ =	shalt  }
0x78: {  	_ =	shalt  }
0x79: {  	_ =	shalt  }
0x7a: {  	_ =	shalt  }
0x7b: {  	_ =	shalt  }
0x7c: {  	_ =	shalt  }
0x7d: {  	_ =	shalt  }
0x7e: {  	_ =	shalt  }
0x7f: {  	_ =	shalt  }
0x80: {  	_ =	shalt  }
0x81: {  	_ =	shalt  }
0x82: {  	_ =	shalt  }
0x83: {  	_ =	shalt  }
0x84: {  	_ =	shalt  }
0x85: {  	_ =	shalt  }
0x86: {  	_ =	shalt  }
0x87: {  	_ =	shalt  }
.Lfunc_end0:
.L_simem_size_0:
called_computation_lowered:
.L_overlay_start_0:
0x88: {  	s2 =	sld [smem:$0x3FD9]  }
0x89: {  	s3 =	sld [smem:$0x3FFE];
	_ =	sdelay $0x1  }
0x8a: {  	s1 =	srdreg.scid  }
0x8b: {  	s0 =	sand.u32 $0x1, s1  }
0x8c: {  	s17 =	sshll.u32 s0, $0xA;
	s2 =	sadd.s32 s3, s2  }
0x8d: {  	s2 =	sadd.s32 s2, s17  }
0x8e: {  	[smem:$0x3FC6] =	sst s2  }
0x8f: {  	_ = 	snop  }
0x90: {  	s2 =	sld [smem:$0x3FC9];
	(tm) =	ssettm $0x1  }
0x91: {  	s18 =	sld [smem:$0x3FFB];
	_ =	sdelay $0x3  }
0x92: {  	_ =	strace s18  }
0x93: {  	s3 =	sld [smem:$0x3FFC];
	_ =	sdelay $0x3  }
0x94: {  	_ =	strace s3  }
0x95: {  	s3 =	sld [smem:$0x3FFD];
	_ =	sdelay $0x3  }
0x96: {  	_ =	strace s3  }
0x97: {  	_ =	strace $0x8FFFFFFF  }
0x98: {  	s19 =	sld [smem:$0x3FDB];
	_ =	sdelay $0x1  }
0x99: {  	s4 =	simm.s32 $_scs_section_size  }
0x9a: {  	s5 =	simm.s32 $_size__tile_overlayer_lowered;
	s6 =	simm.s32 $_tile_overlayer_lowered  }
0x9b: {  	s22 =	simm.s32 $0x1BFF;
	s21 =	sshll.u32 s6, $0x1;
	s3 =	sadd.s32 s4, s19  }
0x9c: {  	s7 =	simm.s32 $0x0;
	s20 =	sshll.u32 s5, $0x1;
	s5 =	sadd.s32 s21, s3  }
0x9d: {  	[timem:s7], [sflag:s22] =	dma.local [hbm:s5], s20  }
0x9e: {  	_ =	swait.ge [sflag:s22], s20  }
0x9f: {  	s4 =	ssub.s32 $0x0, s20;
	[sflag:s22] =	ssyncset.done $0x0  }
0xa0: {  	[sflag:s22] =	ssyncadd.s32 s4;
	_ =	sdelay $0x1  }
0xa1: {  	s23 =	simm.s32 $0x1B8B  }
0xa2: {  	_ =	swait.ge [sflag:s23], $0x1  }
0xa3: {  	[sflag:s23] =	ssyncset.done $0x0  }
0xa4: {  	s25 =	simm.s32 $0x1B8E;
	s24 =	sld [smem:$0x3FFE];
	[sflag:s23] =	ssyncadd.s32 $0xFFFFFFFF  }
0xa5: {  	s26 =	simm.s32 $execute0_lowered;
	[smem:$0x3FD2] =	sst s25  }
0xa6: {  	s5 =	sshll.u32 s26, $0x1;
	_ =	strace $0x80000046;
	[dreg:$0x1] =	wrdreg $0xFFFFFFFF  }
0xa7: {  	s28 =	simm.s32 $_size_execute0_lowered;
	s3 =	sadd.s32 s3, s5;
	[dreg:$0x0] =	wrdreg $0x0  }
0xa8: {  	s5 =	sshll.u32 s28, $0x1;
	[dreg:$0x2] =	wrdreg s3  }
0xa9: {  	[dreg:$0x3] =	wrdreg s5  }
0xaa: {  	[dreg:$0x4] =	wrdreg $0xC0  }
0xab: {  	_ =	task [dreg:s7], $0x5FFFF  }
0xac: {  	[dreg:$0x1] =	wrdreg $0xFFFFFFFF  }
0xad: {  	[dreg:$0x0] =	wrdreg $0x60  }
0xae: {  	[dreg:$0x2] =	wrdreg s2  }
0xaf: {  	[dreg:$0x3] =	wrdreg s24  }
0xb0: {  	[dreg:$0x4] =	wrdreg $0x9  }
0xb1: {  	_ =	task.clear_ibuf [dreg:s7], $0x5FFFF;
	_ =	strace $0x90000046  }
0xb2: {  	s29 =	simm.s32 $0x9;
	_ =	strace $0x80000048  }
0xb3: {  	_ =	swait.ge [sflag:s29], $0x1  }
0xb4: {  	[sflag:s29] =	ssyncadd.s32 $0xFFFFFFFF  }
0xb5: {  	_ =	strace $0x90000048  }
0xb6: {  	_ =	sfence  }
0xb7: {  	s30 =	sld [smem:$0x0];
	_ =	sdelay $0x2  }
0xb8: {  	s31 =	sshll.u32 s1, $0xD;
	s1 =	sshrl.u32 s1, $0x2  }
0xb9: {  	s3 =	sand.u32 $0x4000, s31;
	s1 =	sadd.s32 s1, s30  }
0xba: {  	s0 =	sor.u32 s3, s0;
	s1 =	sshll.u32 s1, $0x11  }
0xbb: {  	s0 =	sor.u32 s1, s0  }
0xbc: {  	s0 =	sadd.s32 $0x8F2B, s0  }
0xbd: {  	[sflag:s0] =	ssyncadd.remote.s32 $0x1  }
0xbe: {  	_ =	sfence.sel $0xFFFF  }
0xbf: {  	[dreg:$0x0] =	wrdreg $0xFFFFFFFF;
	(pc) =	sbr.abs _section_cstart, $3  }
0xc0: {  	[dreg:$0x1] =	wrdreg $0xFFFFFFFF  }
0xc1: {  	_ =	task.clear_ibuf [dreg:s7], $0x2FFFF;
	_ =	strace $0x9FFFFFFF  }
0xc2: {  	(tm) =	ssettm $0x7FFFFFFF  }
0xc3: {  	_ =	shalt  }
tec
execute0_lowered:
.L_overlay_start_1:
0x0: {  	(tag) =	ssettag $0x1  }
0x1: {  	s0 =	srdreg.scid;
	s2 =	rddreg [dreg:$0x0]  }
0x2: {  	s5 =	rddreg [dreg:$0x1];
	s1 =	stileid.u32;
	s3 =	simm.s32 $0x0  }
0x3: {  	s15 =	simm.s32 $0x1000;
	s16 =	simm.s32 $0x2000;
	s17 =	simm.s32 $0x3000  }
0x4: {  	s18 =	simm.s32 $0x4000;
	s19 =	simm.s32 $0x1;
	s20 =	simm.s32 $0x5000  }
0x5: {  	s21 =	simm.s32 $0x2;
	s22 =	simm.s32 $0x3;
	s23 =	simm.s32 $0x4  }
0x6: {  	s24 =	simm.s32 $0x5;
	s25 =	simm.s32 $0x6;
	s4 =	sand.u32 $0x1, s0  }
0x7: {  	s26 =	simm.s32 $0x0;
	s0 =	rddreg [dreg:$0x2];
	s6 =	sshll.u32 s4, $0x4  }
0x8: {  	[smem:$0x7FF] =	sst s3;
	s8 =	ssub.s32 $0x2, s4;
	s6 =	sor.u32 s1, s6  }
0x9: {  	_ =	strace $0x80000047;
	s31 =	sshrl.u32 s8, $0x1;
	s7 =	smul.u32 $0x3100, s6  }
0xa: {  	s30 =	sshll.u32 s6, $0xF;
	s14 =	ssub.s32 s8, s31;
	s12 =	sshll.u32 s6, $0x12  }
0xb: {  	s4 =	sadd.s32 s2, s30;
	s8 =	sor.u32 $0x4000, s12;
	s9 =	sor.u32 $0x5000, s12  }
0xc: {  	s10 =	sor.u32 $0x6000, s12;
	s11 =	sor.u32 $0x7000, s12;
	s12 =	sor.u32 $0x8000, s12  }
0xd: {  	s14 =	smax.u32 s14, $0x1;
	s13 =	sadd.s32 s7, s5;
	s5 =	sadd.s32 $0x200, s4  }
0xe: {  	v0 =	vimm.s32 $0x0;
	v1 =	vimm.s32 $0x1;
	s6 =	sadd.s32 $0x400, s4;
	s7 =	sadd.s32 $0x600, s4;
	s13 =	sadd.s32 $0x800, s13  }
.LBB2_1:
0xf: {  	[tilespmem:s3], [sflag:$0x1] =	stream.linear.gather [hbm4b:s4+s3], $0x1000, $0x38;
	[tilespmem:$0x1D800] =	vst v63  }
0x10: {  	_ = 	snop  }
0x11: {  	[tilespmem:s15], [sflag:$0x2] =	stream.linear.gather [hbm4b:s5+s3], $0x1000, $0x38;
	[tilespmem:$0x1D800] =	vst v63  }
0x12: {  	_ = 	snop  }
0x13: {  	[tilespmem:s16], [sflag:$0x3] =	stream.linear.gather [hbm4b:s6+s3], $0x1000, $0x38;
	[tilespmem:$0x1D800] =	vst v63  }
0x14: {  	s28 =	simm.s32 $0x5040  }
0x15: {  	[tilespmem:s17], [sflag:$0x4] =	stream.linear.gather [hbm4b:s7+s3], $0x1000, $0x38;
	[tilespmem:$0x1D800] =	vst v63  }
0x16: {  	[tilespmem:s28+$0xFFFFFFC0] =	vst v0  }
0x17: {  	[tilespmem:s28+$0x30] =	vst v0  }
0x18: {  	[tilespmem:s28+$0x20] =	vst v0  }
0x19: {  	[tilespmem:s28+$0x10] =	vst v0  }
0x1a: {  	[tilespmem:s28+$0x0] =	vst v0  }
0x1b: {  	[tilespmem:s28+$0xFFFFFFF0] =	vst v0  }
0x1c: {  	s29 =	simm.s32 $0x0;
	[tilespmem:s28+$0xFFFFFFE0] =	vst v0  }
.LBB2_2:
0x1d: {  	s29 =	sadd.s32 $0x8, s29;
	[tilespmem:s28+$0xFFFFFFD0] =	vst v0;
	s28 =	sadd.s32 $0x80, s28  }
0x1e: {  	[tilespmem:s28+$0xFFFFFFC0] =	vst v0;
	p0 =	slt.u32 s29, $0x1878  }
0x1f: {  	[tilespmem:s28+$0x30] =	vst v0  }
.Ltmp0:
0x20: {  	[tilespmem:s28+$0x20] =	vst v0;
	(pc) =	sbr.rel @p0 .LBB2_2-.Ltmp0, $4  }
0x21: {  	[tilespmem:s28+$0x10] =	vst v0  }
0x22: {  	[tilespmem:s28+$0x0] =	vst v0  }
0x23: {  	[tilespmem:s28+$0xFFFFFFF0] =	vst v0  }
0x24: {  	[tilespmem:s28+$0xFFFFFFE0] =	vst v0  }
0x25: {  	[tilespmem:s28+$0xFFFFFFD0] =	vst v0;
	s28 =	simm.s32 $0x0  }
.LBB2_4:
0x26: {  	s29 =	smul.u32 $0x5000, s28;
	_ =	sdelay $0x1  }
0x27: {  	s30 =	sadd.s32 s29, s8  }
0x28: {  	s30 =	sshrl.u32 s30, $0x3  }
0x29: {  	s30 =	sadd.s32 s2, s30  }
0x2a: {  	[tilespmem:s18], [sflag:$0x5] =	stream.linear.gather [hbm4b:s30+s3], $0x1000, $0x38;
	[tilespmem:$0x1D800] =	vst v63  }
0x2b: {  	_ =	swait.ge [sflag:s19], $0x1000  }
0x2c: {  	[sflag:s19] =	ssyncset.done $0x0  }
0x2d: {  	s30 =	simm.s32 $0x80;
	[sflag:s19] =	ssyncadd.s32 $0xFFFFF000  }
0x2e: {  	v2 =	vld [tilespmem:s30+$0xFFFFFF80]  }
0x2f: {  	v3 =	vld [tilespmem:s30+$0xFFFFFF90]  }
0x30: {  	v4 =	vld [tilespmem:s30+$0xFFFFFFA0]  }
0x31: {  	v5 =	vld [tilespmem:s30+$0xFFFFFFB0]  }
0x32: {  	v6 =	vld [tilespmem:s30+$0xFFFFFFC0]  }
0x33: {  	v7 =	vld [tilespmem:s30+$0xFFFFFFD0]  }
0x34: {  	v8 =	vld [tilespmem:s30+$0xFFFFFFE0]  }
0x35: {  	v9 =	vld [tilespmem:s30+$0xFFFFFFF0]  }
0x36: {  	[tilespmem:v2+s20+$0x0] =	vst.idx.add.s32.msk $0xffff, v1  }
0x37: {  	[tilespmem:v3+s20+$0x0] =	vst.idx.add.s32.msk $0xffff, v1  }
0x38: {  	[tilespmem:v4+s20+$0x0] =	vst.idx.add.s32.msk $0xffff, v1  }
0x39: {  	[tilespmem:v5+s20+$0x0] =	vst.idx.add.s32.msk $0xffff, v1  }
0x3a: {  	[tilespmem:v6+s20+$0x0] =	vst.idx.add.s32.msk $0xffff, v1  }
0x3b: {  	[tilespmem:v7+s20+$0x0] =	vst.idx.add.s32.msk $0xffff, v1  }
0x3c: {  	[tilespmem:v8+s20+$0x0] =	vst.idx.add.s32.msk $0xffff, v1  }
0x3d: {  	[tilespmem:v9+s20+$0x0] =	vst.idx.add.s32.msk $0xffff, v1  }
0x3e: {  	v3 =	vld [tilespmem:s30+$0x0]  }
0x3f: {  	v4 =	vld [tilespmem:s30+$0x10]  }
0x40: {  	v5 =	vld [tilespmem:s30+$0x20]  }
0x41: {  	v6 =	vld [tilespmem:s30+$0x30]  }
0x42: {  	v7 =	vld [tilespmem:s30+$0x40]  }
0x43: {  	v8 =	vld [tilespmem:s30+$0x50]  }
0x44: {  	v9 =	vld [tilespmem:s30+$0x60]  }
0x45: {  	v2 =	vld [tilespmem:s30+$0x70]  }
0x46: {  	[tilespmem:v3+s20+$0x0] =	vst.idx.add.s32.msk $0xffff, v1  }
0x47: {  	[tilespmem:v4+s20+$0x0] =	vst.idx.add.s32.msk $0xffff, v1  }
0x48: {  	[tilespmem:v5+s20+$0x0] =	vst.idx.add.s32.msk $0xffff, v1  }
0x49: {  	[tilespmem:v6+s20+$0x0] =	vst.idx.add.s32.msk $0xffff, v1  }
0x4a: {  	[tilespmem:v7+s20+$0x0] =	vst.idx.add.s32.msk $0xffff, v1  }
0x4b: {  	[tilespmem:v8+s20+$0x0] =	vst.idx.add.s32.msk $0xffff, v1  }
0x4c: {  	s31 =	simm.s32 $0x0;
	[tilespmem:v9+s20+$0x0] =	vst.idx.add.s32.msk $0xffff, v1  }
.LBB2_5:
0x4d: {  	s31 =	sadd.s32 $0x2, s31;
	[tilespmem:v2+s20+$0x0] =	vst.idx.add.s32.msk $0xffff, v1;
	s30 =	sadd.s32 $0x100, s30  }
0x4e: {  	v2 =	vld [tilespmem:s30+$0xFFFFFF80];
	p0 =	slt.u32 s31, $0x1E  }
0x4f: {  	v3 =	vld [tilespmem:s30+$0xFFFFFF90]  }
0x50: {  	v4 =	vld [tilespmem:s30+$0xFFFFFFA0]  }
0x51: {  	v5 =	vld [tilespmem:s30+$0xFFFFFFB0]  }
0x52: {  	v6 =	vld [tilespmem:s30+$0xFFFFFFC0]  }
0x53: {  	v7 =	vld [tilespmem:s30+$0xFFFFFFD0]  }
0x54: {  	v8 =	vld [tilespmem:s30+$0xFFFFFFE0]  }
0x55: {  	v9 =	vld [tilespmem:s30+$0xFFFFFFF0]  }
0x56: {  	[tilespmem:v2+s20+$0x0] =	vst.idx.add.s32.msk $0xffff, v1  }
0x57: {  	[tilespmem:v3+s20+$0x0] =	vst.idx.add.s32.msk $0xffff, v1  }
0x58: {  	[tilespmem:v4+s20+$0x0] =	vst.idx.add.s32.msk $0xffff, v1  }
0x59: {  	[tilespmem:v5+s20+$0x0] =	vst.idx.add.s32.msk $0xffff, v1  }
0x5a: {  	[tilespmem:v6+s20+$0x0] =	vst.idx.add.s32.msk $0xffff, v1  }
0x5b: {  	[tilespmem:v7+s20+$0x0] =	vst.idx.add.s32.msk $0xffff, v1  }
0x5c: {  	[tilespmem:v8+s20+$0x0] =	vst.idx.add.s32.msk $0xffff, v1  }
0x5d: {  	[tilespmem:v9+s20+$0x0] =	vst.idx.add.s32.msk $0xffff, v1  }
0x5e: {  	v3 =	vld [tilespmem:s30+$0x0]  }
0x5f: {  	v4 =	vld [tilespmem:s30+$0x10]  }
0x60: {  	v5 =	vld [tilespmem:s30+$0x20]  }
0x61: {  	v6 =	vld [tilespmem:s30+$0x30]  }
0x62: {  	v7 =	vld [tilespmem:s30+$0x40]  }
0x63: {  	v8 =	vld [tilespmem:s30+$0x50]  }
0x64: {  	v9 =	vld [tilespmem:s30+$0x60]  }
0x65: {  	v2 =	vld [tilespmem:s30+$0x70]  }
0x66: {  	[tilespmem:v3+s20+$0x0] =	vst.idx.add.s32.msk $0xffff, v1  }
0x67: {  	[tilespmem:v4+s20+$0x0] =	vst.idx.add.s32.msk $0xffff, v1  }
.Ltmp1:
0x68: {  	[tilespmem:v5+s20+$0x0] =	vst.idx.add.s32.msk $0xffff, v1;
	(pc) =	sbr.rel @p0 .LBB2_5-.Ltmp1, $4  }
0x69: {  	[tilespmem:v6+s20+$0x0] =	vst.idx.add.s32.msk $0xffff, v1  }
0x6a: {  	[tilespmem:v7+s20+$0x0] =	vst.idx.add.s32.msk $0xffff, v1  }
0x6b: {  	[tilespmem:v8+s20+$0x0] =	vst.idx.add.s32.msk $0xffff, v1  }
0x6c: {  	[tilespmem:v9+s20+$0x0] =	vst.idx.add.s32.msk $0xffff, v1  }
0x6d: {  	_ =	sdelay $0x1  }
0x6e: {  	s30 =	sadd.s32 s29, s9  }
0x6f: {  	s30 =	sshrl.u32 s30, $0x3  }
0x70: {  	[tilespmem:v2+s20+$0x0] =	vst.idx.add.s32.msk $0xffff, v1;
	s30 =	sadd.s32 s2, s30  }
0x71: {  	[tilespmem:s3], [sflag:$0x1] =	stream.linear.gather [hbm4b:s30+s3], $0x1000, $0x38;
	[tilespmem:$0x1D800] =	vst v63  }
0x72: {  	_ =	swait.ge [sflag:s21], $0x1000  }
0x73: {  	[sflag:s21] =	ssyncset.done $0x0  }
0x74: {  	s30 =	simm.s32 $0x1080;
	[sflag:s21] =	ssyncadd.s32 $0xFFFFF000  }
0x75: {  	v2 =	vld [tilespmem:s30+$0xFFFFFF80]  }
0x76: {  	v3 =	vld [tilespmem:s30+$0xFFFFFF90]  }
0x77: {  	v4 =	vld [tilespmem:s30+$0xFFFFFFA0]  }
0x78: {  	v5 =	vld [tilespmem:s30+$0xFFFFFFB0]  }
0x79: {  	v6 =	vld [tilespmem:s30+$0xFFFFFFC0]  }
0x7a: {  	v7 =	vld [tilespmem:s30+$0xFFFFFFD0]  }
0x7b: {  	v8 =	vld [tilespmem:s30+$0xFFFFFFE0]  }
0x7c: {  	v9 =	vld [tilespmem:s30+$0xFFFFFFF0]  }
0x7d: {  	[tilespmem:v2+s20+$0x0] =	vst.idx.add.s32.msk $0xffff, v1  }
0x7e: {  	[tilespmem:v3+s20+$0x0] =	vst.idx.add.s32.msk $0xffff, v1  }
0x7f: {  	[tilespmem:v4+s20+$0x0] =	vst.idx.add.s32.msk $0xffff, v1  }
0x80: {  	[tilespmem:v5+s20+$0x0] =	vst.idx.add.s32.msk $0xffff, v1  }
0x81: {  	[tilespmem:v6+s20+$0x0] =	vst.idx.add.s32.msk $0xffff, v1  }
0x82: {  	[tilespmem:v7+s20+$0x0] =	vst.idx.add.s32.msk $0xffff, v1  }
0x83: {  	[tilespmem:v8+s20+$0x0] =	vst.idx.add.s32.msk $0xffff, v1  }
0x84: {  	[tilespmem:v9+s20+$0x0] =	vst.idx.add.s32.msk $0xffff, v1  }
0x85: {  	v3 =	vld [tilespmem:s30+$0x0]  }
0x86: {  	v4 =	vld [tilespmem:s30+$0x10]  }
0x87: {  	v5 =	vld [tilespmem:s30+$0x20]  }
0x88: {  	v6 =	vld [tilespmem:s30+$0x30]  }
0x89: {  	v7 =	vld [tilespmem:s30+$0x40]  }
0x8a: {  	v8 =	vld [tilespmem:s30+$0x50]  }
0x8b: {  	v9 =	vld [tilespmem:s30+$0x60]  }
0x8c: {  	v2 =	vld [tilespmem:s30+$0x70]  }
0x8d: {  	[tilespmem:v3+s20+$0x0] =	vst.idx.add.s32.msk $0xffff, v1  }
0x8e: {  	[tilespmem:v4+s20+$0x0] =	vst.idx.add.s32.msk $0xffff, v1  }
0x8f: {  	[tilespmem:v5+s20+$0x0] =	vst.idx.add.s32.msk $0xffff, v1  }
0x90: {  	[tilespmem:v6+s20+$0x0] =	vst.idx.add.s32.msk $0xffff, v1  }
0x91: {  	[tilespmem:v7+s20+$0x0] =	vst.idx.add.s32.msk $0xffff, v1  }
0x92: {  	[tilespmem:v8+s20+$0x0] =	vst.idx.add.s32.msk $0xffff, v1  }
0x93: {  	s31 =	simm.s32 $0x0;
	[tilespmem:v9+s20+$0x0] =	vst.idx.add.s32.msk $0xffff, v1  }
.LBB2_7:
0x94: {  	s31 =	sadd.s32 $0x2, s31;
	[tilespmem:v2+s20+$0x0] =	vst.idx.add.s32.msk $0xffff, v1;
	s30 =	sadd.s32 $0x100, s30  }
0x95: {  	v2 =	vld [tilespmem:s30+$0xFFFFFF80];
	p0 =	slt.u32 s31, $0x1E  }
0x96: {  	v3 =	vld [tilespmem:s30+$0xFFFFFF90]  }
0x97: {  	v4 =	vld [tilespmem:s30+$0xFFFFFFA0]  }
0x98: {  	v5 =	vld [tilespmem:s30+$0xFFFFFFB0]  }
0x99: {  	v6 =	vld [tilespmem:s30+$0xFFFFFFC0]  }
0x9a: {  	v7 =	vld [tilespmem:s30+$0xFFFFFFD0]  }
0x9b: {  	v8 =	vld [tilespmem:s30+$0xFFFFFFE0]  }
0x9c: {  	v9 =	vld [tilespmem:s30+$0xFFFFFFF0]  }
0x9d: {  	[tilespmem:v2+s20+$0x0] =	vst.idx.add.s32.msk $0xffff, v1  }
0x9e: {  	[tilespmem:v3+s20+$0x0] =	vst.idx.add.s32.msk $0xffff, v1  }
0x9f: {  	[tilespmem:v4+s20+$0x0] =	vst.idx.add.s32.msk $0xffff, v1  }
0xa0: {  	[tilespmem:v5+s20+$0x0] =	vst.idx.add.s32.msk $0xffff, v1  }
0xa1: {  	[tilespmem:v6+s20+$0x0] =	vst.idx.add.s32.msk $0xffff, v1  }
0xa2: {  	[tilespmem:v7+s20+$0x0] =	vst.idx.add.s32.msk $0xffff, v1  }
0xa3: {  	[tilespmem:v8+s20+$0x0] =	vst.idx.add.s32.msk $0xffff, v1  }
0xa4: {  	[tilespmem:v9+s20+$0x0] =	vst.idx.add.s32.msk $0xffff, v1  }
0xa5: {  	v3 =	vld [tilespmem:s30+$0x0]  }
0xa6: {  	v4 =	vld [tilespmem:s30+$0x10]  }
0xa7: {  	v5 =	vld [tilespmem:s30+$0x20]  }
0xa8: {  	v6 =	vld [tilespmem:s30+$0x30]  }
0xa9: {  	v7 =	vld [tilespmem:s30+$0x40]  }
0xaa: {  	v8 =	vld [tilespmem:s30+$0x50]  }
0xab: {  	v9 =	vld [tilespmem:s30+$0x60]  }
0xac: {  	v2 =	vld [tilespmem:s30+$0x70]  }
0xad: {  	[tilespmem:v3+s20+$0x0] =	vst.idx.add.s32.msk $0xffff, v1  }
0xae: {  	[tilespmem:v4+s20+$0x0] =	vst.idx.add.s32.msk $0xffff, v1  }
.Ltmp2:
0xaf: {  	[tilespmem:v5+s20+$0x0] =	vst.idx.add.s32.msk $0xffff, v1;
	(pc) =	sbr.rel @p0 .LBB2_7-.Ltmp2, $4  }
0xb0: {  	[tilespmem:v6+s20+$0x0] =	vst.idx.add.s32.msk $0xffff, v1  }
0xb1: {  	[tilespmem:v7+s20+$0x0] =	vst.idx.add.s32.msk $0xffff, v1  }
0xb2: {  	[tilespmem:v8+s20+$0x0] =	vst.idx.add.s32.msk $0xffff, v1  }
0xb3: {  	[tilespmem:v9+s20+$0x0] =	vst.idx.add.s32.msk $0xffff, v1  }
0xb4: {  	_ =	sdelay $0x1  }
0xb5: {  	s30 =	sadd.s32 s29, s10  }
0xb6: {  	s30 =	sshrl.u32 s30, $0x3  }
0xb7: {  	[tilespmem:v2+s20+$0x0] =	vst.idx.add.s32.msk $0xffff, v1;
	s30 =	sadd.s32 s2, s30  }
0xb8: {  	[tilespmem:s15], [sflag:$0x2] =	stream.linear.gather [hbm4b:s30+s3], $0x1000, $0x38;
	[tilespmem:$0x1D800] =	vst v63  }
0xb9: {  	_ =	swait.ge [sflag:s22], $0x1000  }
0xba: {  	[sflag:s22] =	ssyncset.done $0x0  }
0xbb: {  	s30 =	simm.s32 $0x2080;
	[sflag:s22] =	ssyncadd.s32 $0xFFFFF000  }
0xbc: {  	v2 =	vld [tilespmem:s30+$0xFFFFFF80]  }
0xbd: {  	v3 =	vld [tilespmem:s30+$0xFFFFFF90]  }
0xbe: {  	v4 =	vld [tilespmem:s30+$0xFFFFFFA0]  }
0xbf: {  	v5 =	vld [tilespmem:s30+$0xFFFFFFB0]  }
0xc0: {  	v6 =	vld [tilespmem:s30+$0xFFFFFFC0]  }
0xc1: {  	v7 =	vld [tilespmem:s30+$0xFFFFFFD0]  }
0xc2: {  	v8 =	vld [tilespmem:s30+$0xFFFFFFE0]  }
0xc3: {  	v9 =	vld [tilespmem:s30+$0xFFFFFFF0]  }
0xc4: {  	[tilespmem:v2+s20+$0x0] =	vst.idx.add.s32.msk $0xffff, v1  }
0xc5: {  	[tilespmem:v3+s20+$0x0] =	vst.idx.add.s32.msk $0xffff, v1  }
0xc6: {  	[tilespmem:v4+s20+$0x0] =	vst.idx.add.s32.msk $0xffff, v1  }
0xc7: {  	[tilespmem:v5+s20+$0x0] =	vst.idx.add.s32.msk $0xffff, v1  }
0xc8: {  	[tilespmem:v6+s20+$0x0] =	vst.idx.add.s32.msk $0xffff, v1  }
0xc9: {  	[tilespmem:v7+s20+$0x0] =	vst.idx.add.s32.msk $0xffff, v1  }
0xca: {  	[tilespmem:v8+s20+$0x0] =	vst.idx.add.s32.msk $0xffff, v1  }
0xcb: {  	[tilespmem:v9+s20+$0x0] =	vst.idx.add.s32.msk $0xffff, v1  }
0xcc: {  	v3 =	vld [tilespmem:s30+$0x0]  }
0xcd: {  	v4 =	vld [tilespmem:s30+$0x10]  }
0xce: {  	v5 =	vld [tilespmem:s30+$0x20]  }
0xcf: {  	v6 =	vld [tilespmem:s30+$0x30]  }
0xd0: {  	v7 =	vld [tilespmem:s30+$0x40]  }
0xd1: {  	v8 =	vld [tilespmem:s30+$0x50]  }
0xd2: {  	v9 =	vld [tilespmem:s30+$0x60]  }
0xd3: {  	v2 =	vld [tilespmem:s30+$0x70]  }
0xd4: {  	[tilespmem:v3+s20+$0x0] =	vst.idx.add.s32.msk $0xffff, v1  }
0xd5: {  	[tilespmem:v4+s20+$0x0] =	vst.idx.add.s32.msk $0xffff, v1  }
0xd6: {  	[tilespmem:v5+s20+$0x0] =	vst.idx.add.s32.msk $0xffff, v1  }
0xd7: {  	[tilespmem:v6+s20+$0x0] =	vst.idx.add.s32.msk $0xffff, v1  }
0xd8: {  	[tilespmem:v7+s20+$0x0] =	vst.idx.add.s32.msk $0xffff, v1  }
0xd9: {  	[tilespmem:v8+s20+$0x0] =	vst.idx.add.s32.msk $0xffff, v1  }
0xda: {  	s31 =	simm.s32 $0x0;
	[tilespmem:v9+s20+$0x0] =	vst.idx.add.s32.msk $0xffff, v1  }
.LBB2_9:
0xdb: {  	s31 =	sadd.s32 $0x2, s31;
	[tilespmem:v2+s20+$0x0] =	vst.idx.add.s32.msk $0xffff, v1;
	s30 =	sadd.s32 $0x100, s30  }
0xdc: {  	v2 =	vld [tilespmem:s30+$0xFFFFFF80];
	p0 =	slt.u32 s31, $0x1E  }
0xdd: {  	v3 =	vld [tilespmem:s30+$0xFFFFFF90]  }
0xde: {  	v4 =	vld [tilespmem:s30+$0xFFFFFFA0]  }
0xdf: {  	v5 =	vld [tilespmem:s30+$0xFFFFFFB0]  }
0xe0: {  	v6 =	vld [tilespmem:s30+$0xFFFFFFC0]  }
0xe1: {  	v7 =	vld [tilespmem:s30+$0xFFFFFFD0]  }
0xe2: {  	v8 =	vld [tilespmem:s30+$0xFFFFFFE0]  }
0xe3: {  	v9 =	vld [tilespmem:s30+$0xFFFFFFF0]  }
0xe4: {  	[tilespmem:v2+s20+$0x0] =	vst.idx.add.s32.msk $0xffff, v1  }
0xe5: {  	[tilespmem:v3+s20+$0x0] =	vst.idx.add.s32.msk $0xffff, v1  }
0xe6: {  	[tilespmem:v4+s20+$0x0] =	vst.idx.add.s32.msk $0xffff, v1  }
0xe7: {  	[tilespmem:v5+s20+$0x0] =	vst.idx.add.s32.msk $0xffff, v1  }
0xe8: {  	[tilespmem:v6+s20+$0x0] =	vst.idx.add.s32.msk $0xffff, v1  }
0xe9: {  	[tilespmem:v7+s20+$0x0] =	vst.idx.add.s32.msk $0xffff, v1  }
0xea: {  	[tilespmem:v8+s20+$0x0] =	vst.idx.add.s32.msk $0xffff, v1  }
0xeb: {  	[tilespmem:v9+s20+$0x0] =	vst.idx.add.s32.msk $0xffff, v1  }
0xec: {  	v3 =	vld [tilespmem:s30+$0x0]  }
0xed: {  	v4 =	vld [tilespmem:s30+$0x10]  }
0xee: {  	v5 =	vld [tilespmem:s30+$0x20]  }
0xef: {  	v6 =	vld [tilespmem:s30+$0x30]  }
0xf0: {  	v7 =	vld [tilespmem:s30+$0x40]  }
0xf1: {  	v8 =	vld [tilespmem:s30+$0x50]  }
0xf2: {  	v9 =	vld [tilespmem:s30+$0x60]  }
0xf3: {  	v2 =	vld [tilespmem:s30+$0x70]  }
0xf4: {  	[tilespmem:v3+s20+$0x0] =	vst.idx.add.s32.msk $0xffff, v1  }
0xf5: {  	[tilespmem:v4+s20+$0x0] =	vst.idx.add.s32.msk $0xffff, v1  }
.Ltmp3:
0xf6: {  	[tilespmem:v5+s20+$0x0] =	vst.idx.add.s32.msk $0xffff, v1;
	(pc) =	sbr.rel @p0 .LBB2_9-.Ltmp3, $4  }
0xf7: {  	[tilespmem:v6+s20+$0x0] =	vst.idx.add.s32.msk $0xffff, v1  }
0xf8: {  	[tilespmem:v7+s20+$0x0] =	vst.idx.add.s32.msk $0xffff, v1  }
0xf9: {  	[tilespmem:v8+s20+$0x0] =	vst.idx.add.s32.msk $0xffff, v1  }
0xfa: {  	[tilespmem:v9+s20+$0x0] =	vst.idx.add.s32.msk $0xffff, v1  }
0xfb: {  	_ =	sdelay $0x1  }
0xfc: {  	s30 =	sadd.s32 s29, s11  }
0xfd: {  	s30 =	sshrl.u32 s30, $0x3  }
0xfe: {  	[tilespmem:v2+s20+$0x0] =	vst.idx.add.s32.msk $0xffff, v1;
	s30 =	sadd.s32 s2, s30  }
0xff: {  	[tilespmem:s16], [sflag:$0x3] =	stream.linear.gather [hbm4b:s30+s3], $0x1000, $0x38;
	[tilespmem:$0x1D800] =	vst v63  }
0x100: {  	_ =	swait.ge [sflag:s23], $0x1000  }
0x101: {  	[sflag:s23] =	ssyncset.done $0x0  }
0x102: {  	s30 =	simm.s32 $0x3080;
	[sflag:s23] =	ssyncadd.s32 $0xFFFFF000  }
0x103: {  	v2 =	vld [tilespmem:s30+$0xFFFFFF80]  }
0x104: {  	v3 =	vld [tilespmem:s30+$0xFFFFFF90]  }
0x105: {  	v4 =	vld [tilespmem:s30+$0xFFFFFFA0]  }
0x106: {  	v5 =	vld [tilespmem:s30+$0xFFFFFFB0]  }
0x107: {  	v6 =	vld [tilespmem:s30+$0xFFFFFFC0]  }
0x108: {  	v7 =	vld [tilespmem:s30+$0xFFFFFFD0]  }
0x109: {  	v8 =	vld [tilespmem:s30+$0xFFFFFFE0]  }
0x10a: {  	v9 =	vld [tilespmem:s30+$0xFFFFFFF0]  }
0x10b: {  	[tilespmem:v2+s20+$0x0] =	vst.idx.add.s32.msk $0xffff, v1  }
0x10c: {  	[tilespmem:v3+s20+$0x0] =	vst.idx.add.s32.msk $0xffff, v1  }
0x10d: {  	[tilespmem:v4+s20+$0x0] =	vst.idx.add.s32.msk $0xffff, v1  }
0x10e: {  	[tilespmem:v5+s20+$0x0] =	vst.idx.add.s32.msk $0xffff, v1  }
0x10f: {  	[tilespmem:v6+s20+$0x0] =	vst.idx.add.s32.msk $0xffff, v1  }
0x110: {  	[tilespmem:v7+s20+$0x0] =	vst.idx.add.s32.msk $0xffff, v1  }
0x111: {  	[tilespmem:v8+s20+$0x0] =	vst.idx.add.s32.msk $0xffff, v1  }
0x112: {  	[tilespmem:v9+s20+$0x0] =	vst.idx.add.s32.msk $0xffff, v1  }
0x113: {  	v3 =	vld [tilespmem:s30+$0x0]  }
0x114: {  	v4 =	vld [tilespmem:s30+$0x10]  }
0x115: {  	v5 =	vld [tilespmem:s30+$0x20]  }
0x116: {  	v6 =	vld [tilespmem:s30+$0x30]  }
0x117: {  	v7 =	vld [tilespmem:s30+$0x40]  }
0x118: {  	v8 =	vld [tilespmem:s30+$0x50]  }
0x119: {  	v9 =	vld [tilespmem:s30+$0x60]  }
0x11a: {  	v2 =	vld [tilespmem:s30+$0x70]  }
0x11b: {  	[tilespmem:v3+s20+$0x0] =	vst.idx.add.s32.msk $0xffff, v1  }
0x11c: {  	[tilespmem:v4+s20+$0x0] =	vst.idx.add.s32.msk $0xffff, v1  }
0x11d: {  	[tilespmem:v5+s20+$0x0] =	vst.idx.add.s32.msk $0xffff, v1  }
0x11e: {  	[tilespmem:v6+s20+$0x0] =	vst.idx.add.s32.msk $0xffff, v1  }
0x11f: {  	[tilespmem:v7+s20+$0x0] =	vst.idx.add.s32.msk $0xffff, v1  }
0x120: {  	[tilespmem:v8+s20+$0x0] =	vst.idx.add.s32.msk $0xffff, v1  }
0x121: {  	s31 =	simm.s32 $0x0;
	[tilespmem:v9+s20+$0x0] =	vst.idx.add.s32.msk $0xffff, v1  }
.LBB2_11:
0x122: {  	s31 =	sadd.s32 $0x2, s31;
	[tilespmem:v2+s20+$0x0] =	vst.idx.add.s32.msk $0xffff, v1;
	s30 =	sadd.s32 $0x100, s30  }
0x123: {  	v2 =	vld [tilespmem:s30+$0xFFFFFF80];
	p0 =	slt.u32 s31, $0x1E  }
0x124: {  	v3 =	vld [tilespmem:s30+$0xFFFFFF90]  }
0x125: {  	v4 =	vld [tilespmem:s30+$0xFFFFFFA0]  }
0x126: {  	v5 =	vld [tilespmem:s30+$0xFFFFFFB0]  }
0x127: {  	v6 =	vld [tilespmem:s30+$0xFFFFFFC0]  }
0x128: {  	v7 =	vld [tilespmem:s30+$0xFFFFFFD0]  }
0x129: {  	v8 =	vld [tilespmem:s30+$0xFFFFFFE0]  }
0x12a: {  	v9 =	vld [tilespmem:s30+$0xFFFFFFF0]  }
0x12b: {  	[tilespmem:v2+s20+$0x0] =	vst.idx.add.s32.msk $0xffff, v1  }
0x12c: {  	[tilespmem:v3+s20+$0x0] =	vst.idx.add.s32.msk $0xffff, v1  }
0x12d: {  	[tilespmem:v4+s20+$0x0] =	vst.idx.add.s32.msk $0xffff, v1  }
0x12e: {  	[tilespmem:v5+s20+$0x0] =	vst.idx.add.s32.msk $0xffff, v1  }
0x12f: {  	[tilespmem:v6+s20+$0x0] =	vst.idx.add.s32.msk $0xffff, v1  }
0x130: {  	[tilespmem:v7+s20+$0x0] =	vst.idx.add.s32.msk $0xffff, v1  }
0x131: {  	[tilespmem:v8+s20+$0x0] =	vst.idx.add.s32.msk $0xffff, v1  }
0x132: {  	[tilespmem:v9+s20+$0x0] =	vst.idx.add.s32.msk $0xffff, v1  }
0x133: {  	v3 =	vld [tilespmem:s30+$0x0]  }
0x134: {  	v4 =	vld [tilespmem:s30+$0x10]  }
0x135: {  	v5 =	vld [tilespmem:s30+$0x20]  }
0x136: {  	v6 =	vld [tilespmem:s30+$0x30]  }
0x137: {  	v7 =	vld [tilespmem:s30+$0x40]  }
0x138: {  	v8 =	vld [tilespmem:s30+$0x50]  }
0x139: {  	v9 =	vld [tilespmem:s30+$0x60]  }
0x13a: {  	v2 =	vld [tilespmem:s30+$0x70]  }
0x13b: {  	[tilespmem:v3+s20+$0x0] =	vst.idx.add.s32.msk $0xffff, v1  }
0x13c: {  	[tilespmem:v4+s20+$0x0] =	vst.idx.add.s32.msk $0xffff, v1  }
.Ltmp4:
0x13d: {  	[tilespmem:v5+s20+$0x0] =	vst.idx.add.s32.msk $0xffff, v1;
	(pc) =	sbr.rel @p0 .LBB2_11-.Ltmp4, $4  }
0x13e: {  	[tilespmem:v6+s20+$0x0] =	vst.idx.add.s32.msk $0xffff, v1  }
0x13f: {  	[tilespmem:v7+s20+$0x0] =	vst.idx.add.s32.msk $0xffff, v1  }
0x140: {  	[tilespmem:v8+s20+$0x0] =	vst.idx.add.s32.msk $0xffff, v1  }
0x141: {  	[tilespmem:v9+s20+$0x0] =	vst.idx.add.s32.msk $0xffff, v1  }
0x142: {  	_ =	sdelay $0x1  }
0x143: {  	s29 =	sadd.s32 s29, s12  }
0x144: {  	s29 =	sshrl.u32 s29, $0x3  }
0x145: {  	[tilespmem:v2+s20+$0x0] =	vst.idx.add.s32.msk $0xffff, v1;
	s29 =	sadd.s32 s2, s29  }
0x146: {  	[tilespmem:s17], [sflag:$0x4] =	stream.linear.gather [hbm4b:s29+s3], $0x1000, $0x38;
	[tilespmem:$0x1D800] =	vst v63  }
0x147: {  	_ =	swait.ge [sflag:s24], $0x1000  }
0x148: {  	[sflag:s24] =	ssyncset.done $0x0  }
0x149: {  	s29 =	simm.s32 $0x4080;
	[sflag:s24] =	ssyncadd.s32 $0xFFFFF000  }
0x14a: {  	v2 =	vld [tilespmem:s29+$0xFFFFFF80]  }
0x14b: {  	v3 =	vld [tilespmem:s29+$0xFFFFFF90]  }
0x14c: {  	v4 =	vld [tilespmem:s29+$0xFFFFFFA0]  }
0x14d: {  	v5 =	vld [tilespmem:s29+$0xFFFFFFB0]  }
0x14e: {  	v6 =	vld [tilespmem:s29+$0xFFFFFFC0]  }
0x14f: {  	v7 =	vld [tilespmem:s29+$0xFFFFFFD0]  }
0x150: {  	v8 =	vld [tilespmem:s29+$0xFFFFFFE0]  }
0x151: {  	v9 =	vld [tilespmem:s29+$0xFFFFFFF0]  }
0x152: {  	[tilespmem:v2+s20+$0x0] =	vst.idx.add.s32.msk $0xffff, v1  }
0x153: {  	[tilespmem:v3+s20+$0x0] =	vst.idx.add.s32.msk $0xffff, v1  }
0x154: {  	[tilespmem:v4+s20+$0x0] =	vst.idx.add.s32.msk $0xffff, v1  }
0x155: {  	[tilespmem:v5+s20+$0x0] =	vst.idx.add.s32.msk $0xffff, v1  }
0x156: {  	[tilespmem:v6+s20+$0x0] =	vst.idx.add.s32.msk $0xffff, v1  }
0x157: {  	[tilespmem:v7+s20+$0x0] =	vst.idx.add.s32.msk $0xffff, v1  }
0x158: {  	[tilespmem:v8+s20+$0x0] =	vst.idx.add.s32.msk $0xffff, v1  }
0x159: {  	[tilespmem:v9+s20+$0x0] =	vst.idx.add.s32.msk $0xffff, v1  }
0x15a: {  	v3 =	vld [tilespmem:s29+$0x0]  }
0x15b: {  	v4 =	vld [tilespmem:s29+$0x10]  }
0x15c: {  	v5 =	vld [tilespmem:s29+$0x20]  }
0x15d: {  	v6 =	vld [tilespmem:s29+$0x30]  }
0x15e: {  	v7 =	vld [tilespmem:s29+$0x40]  }
0x15f: {  	v8 =	vld [tilespmem:s29+$0x50]  }
0x160: {  	v9 =	vld [tilespmem:s29+$0x60]  }
0x161: {  	v2 =	vld [tilespmem:s29+$0x70]  }
0x162: {  	[tilespmem:v3+s20+$0x0] =	vst.idx.add.s32.msk $0xffff, v1  }
0x163: {  	[tilespmem:v4+s20+$0x0] =	vst.idx.add.s32.msk $0xffff, v1  }
0x164: {  	[tilespmem:v5+s20+$0x0] =	vst.idx.add.s32.msk $0xffff, v1  }
0x165: {  	[tilespmem:v6+s20+$0x0] =	vst.idx.add.s32.msk $0xffff, v1  }
0x166: {  	[tilespmem:v7+s20+$0x0] =	vst.idx.add.s32.msk $0xffff, v1  }
0x167: {  	[tilespmem:v8+s20+$0x0] =	vst.idx.add.s32.msk $0xffff, v1  }
0x168: {  	s30 =	simm.s32 $0x0;
	[tilespmem:v9+s20+$0x0] =	vst.idx.add.s32.msk $0xffff, v1  }
.LBB2_13:
0x169: {  	s30 =	sadd.s32 $0x2, s30;
	[tilespmem:v2+s20+$0x0] =	vst.idx.add.s32.msk $0xffff, v1;
	s29 =	sadd.s32 $0x100, s29  }
0x16a: {  	v2 =	vld [tilespmem:s29+$0xFFFFFF80];
	p0 =	slt.u32 s30, $0x1E  }
0x16b: {  	v3 =	vld [tilespmem:s29+$0xFFFFFF90]  }
0x16c: {  	v4 =	vld [tilespmem:s29+$0xFFFFFFA0]  }
0x16d: {  	v5 =	vld [tilespmem:s29+$0xFFFFFFB0]  }
0x16e: {  	v6 =	vld [tilespmem:s29+$0xFFFFFFC0]  }
0x16f: {  	v7 =	vld [tilespmem:s29+$0xFFFFFFD0]  }
0x170: {  	v8 =	vld [tilespmem:s29+$0xFFFFFFE0]  }
0x171: {  	v9 =	vld [tilespmem:s29+$0xFFFFFFF0]  }
0x172: {  	[tilespmem:v2+s20+$0x0] =	vst.idx.add.s32.msk $0xffff, v1  }
0x173: {  	[tilespmem:v3+s20+$0x0] =	vst.idx.add.s32.msk $0xffff, v1  }
0x174: {  	[tilespmem:v4+s20+$0x0] =	vst.idx.add.s32.msk $0xffff, v1  }
0x175: {  	[tilespmem:v5+s20+$0x0] =	vst.idx.add.s32.msk $0xffff, v1  }
0x176: {  	[tilespmem:v6+s20+$0x0] =	vst.idx.add.s32.msk $0xffff, v1  }
0x177: {  	[tilespmem:v7+s20+$0x0] =	vst.idx.add.s32.msk $0xffff, v1  }
0x178: {  	[tilespmem:v8+s20+$0x0] =	vst.idx.add.s32.msk $0xffff, v1  }
0x179: {  	[tilespmem:v9+s20+$0x0] =	vst.idx.add.s32.msk $0xffff, v1  }
0x17a: {  	v3 =	vld [tilespmem:s29+$0x0]  }
0x17b: {  	v4 =	vld [tilespmem:s29+$0x10]  }
0x17c: {  	v5 =	vld [tilespmem:s29+$0x20]  }
0x17d: {  	v6 =	vld [tilespmem:s29+$0x30]  }
0x17e: {  	v7 =	vld [tilespmem:s29+$0x40]  }
0x17f: {  	v8 =	vld [tilespmem:s29+$0x50]  }
0x180: {  	v9 =	vld [tilespmem:s29+$0x60]  }
0x181: {  	v2 =	vld [tilespmem:s29+$0x70]  }
0x182: {  	[tilespmem:v3+s20+$0x0] =	vst.idx.add.s32.msk $0xffff, v1  }
0x183: {  	[tilespmem:v4+s20+$0x0] =	vst.idx.add.s32.msk $0xffff, v1  }
.Ltmp5:
0x184: {  	[tilespmem:v5+s20+$0x0] =	vst.idx.add.s32.msk $0xffff, v1;
	(pc) =	sbr.rel @p0 .LBB2_13-.Ltmp5, $4  }
0x185: {  	[tilespmem:v6+s20+$0x0] =	vst.idx.add.s32.msk $0xffff, v1  }
0x186: {  	[tilespmem:v7+s20+$0x0] =	vst.idx.add.s32.msk $0xffff, v1  }
0x187: {  	[tilespmem:v8+s20+$0x0] =	vst.idx.add.s32.msk $0xffff, v1  }
0x188: {  	[tilespmem:v9+s20+$0x0] =	vst.idx.add.s32.msk $0xffff, v1  }
0x189: {  	s28 =	sadd.s32 $0x1, s28  }
0x18a: {  	p0 =	sne.s32 s28, $0xC  }
.Ltmp6:
0x18b: {  	_ = 	snop;
	(pc) =	sbr.rel @p0 .LBB2_4-.Ltmp6, $2  }
0x18c: {  	_ =	sdelay $0x2  }
0x18d: {  	[tilespmem:v2+s20+$0x0] =	vst.idx.add.s32.msk $0xffff, v1  }
0x18e: {  	_ =	swait.ge [sflag:s19], $0x1000  }
0x18f: {  	[sflag:s19] =	ssyncset.done $0x0  }
0x190: {  	s28 =	simm.s32 $0x80;
	[sflag:s19] =	ssyncadd.s32 $0xFFFFF000  }
0x191: {  	v2 =	vld [tilespmem:s28+$0xFFFFFF80]  }
0x192: {  	v3 =	vld [tilespmem:s28+$0xFFFFFF90]  }
0x193: {  	v4 =	vld [tilespmem:s28+$0xFFFFFFA0]  }
0x194: {  	v5 =	vld [tilespmem:s28+$0xFFFFFFB0]  }
0x195: {  	v6 =	vld [tilespmem:s28+$0xFFFFFFC0]  }
0x196: {  	v7 =	vld [tilespmem:s28+$0xFFFFFFD0]  }
0x197: {  	v8 =	vld [tilespmem:s28+$0xFFFFFFE0]  }
0x198: {  	v9 =	vld [tilespmem:s28+$0xFFFFFFF0]  }
0x199: {  	[tilespmem:v2+s20+$0x0] =	vst.idx.add.s32.msk $0xffff, v1  }
0x19a: {  	[tilespmem:v3+s20+$0x0] =	vst.idx.add.s32.msk $0xffff, v1  }
0x19b: {  	[tilespmem:v4+s20+$0x0] =	vst.idx.add.s32.msk $0xffff, v1  }
0x19c: {  	[tilespmem:v5+s20+$0x0] =	vst.idx.add.s32.msk $0xffff, v1  }
0x19d: {  	[tilespmem:v6+s20+$0x0] =	vst.idx.add.s32.msk $0xffff, v1  }
0x19e: {  	[tilespmem:v7+s20+$0x0] =	vst.idx.add.s32.msk $0xffff, v1  }
0x19f: {  	[tilespmem:v8+s20+$0x0] =	vst.idx.add.s32.msk $0xffff, v1  }
0x1a0: {  	[tilespmem:v9+s20+$0x0] =	vst.idx.add.s32.msk $0xffff, v1  }
0x1a1: {  	v3 =	vld [tilespmem:s28+$0x0]  }
0x1a2: {  	v4 =	vld [tilespmem:s28+$0x10]  }
0x1a3: {  	v5 =	vld [tilespmem:s28+$0x20]  }
0x1a4: {  	v6 =	vld [tilespmem:s28+$0x30]  }
0x1a5: {  	v7 =	vld [tilespmem:s28+$0x40]  }
0x1a6: {  	v8 =	vld [tilespmem:s28+$0x50]  }
0x1a7: {  	v9 =	vld [tilespmem:s28+$0x60]  }
0x1a8: {  	v2 =	vld [tilespmem:s28+$0x70]  }
0x1a9: {  	[tilespmem:v3+s20+$0x0] =	vst.idx.add.s32.msk $0xffff, v1  }
0x1aa: {  	[tilespmem:v4+s20+$0x0] =	vst.idx.add.s32.msk $0xffff, v1  }
0x1ab: {  	[tilespmem:v5+s20+$0x0] =	vst.idx.add.s32.msk $0xffff, v1  }
0x1ac: {  	[tilespmem:v6+s20+$0x0] =	vst.idx.add.s32.msk $0xffff, v1  }
0x1ad: {  	[tilespmem:v7+s20+$0x0] =	vst.idx.add.s32.msk $0xffff, v1  }
0x1ae: {  	[tilespmem:v8+s20+$0x0] =	vst.idx.add.s32.msk $0xffff, v1  }
0x1af: {  	s29 =	simm.s32 $0x0;
	[tilespmem:v9+s20+$0x0] =	vst.idx.add.s32.msk $0xffff, v1  }
.LBB2_16:
0x1b0: {  	s29 =	sadd.s32 $0x2, s29;
	[tilespmem:v2+s20+$0x0] =	vst.idx.add.s32.msk $0xffff, v1;
	s28 =	sadd.s32 $0x100, s28  }
0x1b1: {  	v2 =	vld [tilespmem:s28+$0xFFFFFF80];
	p0 =	slt.u32 s29, $0x1E  }
0x1b2: {  	v3 =	vld [tilespmem:s28+$0xFFFFFF90]  }
0x1b3: {  	v4 =	vld [tilespmem:s28+$0xFFFFFFA0]  }
0x1b4: {  	v5 =	vld [tilespmem:s28+$0xFFFFFFB0]  }
0x1b5: {  	v6 =	vld [tilespmem:s28+$0xFFFFFFC0]  }
0x1b6: {  	v7 =	vld [tilespmem:s28+$0xFFFFFFD0]  }
0x1b7: {  	v8 =	vld [tilespmem:s28+$0xFFFFFFE0]  }
0x1b8: {  	v9 =	vld [tilespmem:s28+$0xFFFFFFF0]  }
0x1b9: {  	[tilespmem:v2+s20+$0x0] =	vst.idx.add.s32.msk $0xffff, v1  }
0x1ba: {  	[tilespmem:v3+s20+$0x0] =	vst.idx.add.s32.msk $0xffff, v1  }
0x1bb: {  	[tilespmem:v4+s20+$0x0] =	vst.idx.add.s32.msk $0xffff, v1  }
0x1bc: {  	[tilespmem:v5+s20+$0x0] =	vst.idx.add.s32.msk $0xffff, v1  }
0x1bd: {  	[tilespmem:v6+s20+$0x0] =	vst.idx.add.s32.msk $0xffff, v1  }
0x1be: {  	[tilespmem:v7+s20+$0x0] =	vst.idx.add.s32.msk $0xffff, v1  }
0x1bf: {  	[tilespmem:v8+s20+$0x0] =	vst.idx.add.s32.msk $0xffff, v1  }
0x1c0: {  	[tilespmem:v9+s20+$0x0] =	vst.idx.add.s32.msk $0xffff, v1  }
0x1c1: {  	v3 =	vld [tilespmem:s28+$0x0]  }
0x1c2: {  	v4 =	vld [tilespmem:s28+$0x10]  }
0x1c3: {  	v5 =	vld [tilespmem:s28+$0x20]  }
0x1c4: {  	v6 =	vld [tilespmem:s28+$0x30]  }
0x1c5: {  	v7 =	vld [tilespmem:s28+$0x40]  }
0x1c6: {  	v8 =	vld [tilespmem:s28+$0x50]  }
0x1c7: {  	v9 =	vld [tilespmem:s28+$0x60]  }
0x1c8: {  	v2 =	vld [tilespmem:s28+$0x70]  }
0x1c9: {  	[tilespmem:v3+s20+$0x0] =	vst.idx.add.s32.msk $0xffff, v1  }
0x1ca: {  	[tilespmem:v4+s20+$0x0] =	vst.idx.add.s32.msk $0xffff, v1  }
.Ltmp7:
0x1cb: {  	[tilespmem:v5+s20+$0x0] =	vst.idx.add.s32.msk $0xffff, v1;
	(pc) =	sbr.rel @p0 .LBB2_16-.Ltmp7, $4  }
0x1cc: {  	[tilespmem:v6+s20+$0x0] =	vst.idx.add.s32.msk $0xffff, v1  }
0x1cd: {  	[tilespmem:v7+s20+$0x0] =	vst.idx.add.s32.msk $0xffff, v1  }
0x1ce: {  	[tilespmem:v8+s20+$0x0] =	vst.idx.add.s32.msk $0xffff, v1  }
0x1cf: {  	[tilespmem:v9+s20+$0x0] =	vst.idx.add.s32.msk $0xffff, v1  }
0x1d0: {  	_ =	sdelay $0x3  }
0x1d1: {  	[tilespmem:v2+s20+$0x0] =	vst.idx.add.s32.msk $0xffff, v1  }
0x1d2: {  	_ =	swait.ge [sflag:s21], $0x1000  }
0x1d3: {  	[sflag:s21] =	ssyncset.done $0x0  }
0x1d4: {  	s28 =	simm.s32 $0x1080;
	[sflag:s21] =	ssyncadd.s32 $0xFFFFF000  }
0x1d5: {  	v2 =	vld [tilespmem:s28+$0xFFFFFF80]  }
0x1d6: {  	v3 =	vld [tilespmem:s28+$0xFFFFFF90]  }
0x1d7: {  	v4 =	vld [tilespmem:s28+$0xFFFFFFA0]  }
0x1d8: {  	v5 =	vld [tilespmem:s28+$0xFFFFFFB0]  }
0x1d9: {  	v6 =	vld [tilespmem:s28+$0xFFFFFFC0]  }
0x1da: {  	v7 =	vld [tilespmem:s28+$0xFFFFFFD0]  }
0x1db: {  	v8 =	vld [tilespmem:s28+$0xFFFFFFE0]  }
0x1dc: {  	v9 =	vld [tilespmem:s28+$0xFFFFFFF0]  }
0x1dd: {  	[tilespmem:v2+s20+$0x0] =	vst.idx.add.s32.msk $0xffff, v1  }
0x1de: {  	[tilespmem:v3+s20+$0x0] =	vst.idx.add.s32.msk $0xffff, v1  }
0x1df: {  	[tilespmem:v4+s20+$0x0] =	vst.idx.add.s32.msk $0xffff, v1  }
0x1e0: {  	[tilespmem:v5+s20+$0x0] =	vst.idx.add.s32.msk $0xffff, v1  }
0x1e1: {  	[tilespmem:v6+s20+$0x0] =	vst.idx.add.s32.msk $0xffff, v1  }
0x1e2: {  	[tilespmem:v7+s20+$0x0] =	vst.idx.add.s32.msk $0xffff, v1  }
0x1e3: {  	[tilespmem:v8+s20+$0x0] =	vst.idx.add.s32.msk $0xffff, v1  }
0x1e4: {  	[tilespmem:v9+s20+$0x0] =	vst.idx.add.s32.msk $0xffff, v1  }
0x1e5: {  	v3 =	vld [tilespmem:s28+$0x0]  }
0x1e6: {  	v4 =	vld [tilespmem:s28+$0x10]  }
0x1e7: {  	v5 =	vld [tilespmem:s28+$0x20]  }
0x1e8: {  	v6 =	vld [tilespmem:s28+$0x30]  }
0x1e9: {  	v7 =	vld [tilespmem:s28+$0x40]  }
0x1ea: {  	v8 =	vld [tilespmem:s28+$0x50]  }
0x1eb: {  	v9 =	vld [tilespmem:s28+$0x60]  }
0x1ec: {  	v2 =	vld [tilespmem:s28+$0x70]  }
0x1ed: {  	[tilespmem:v3+s20+$0x0] =	vst.idx.add.s32.msk $0xffff, v1  }
0x1ee: {  	[tilespmem:v4+s20+$0x0] =	vst.idx.add.s32.msk $0xffff, v1  }
0x1ef: {  	[tilespmem:v5+s20+$0x0] =	vst.idx.add.s32.msk $0xffff, v1  }
0x1f0: {  	[tilespmem:v6+s20+$0x0] =	vst.idx.add.s32.msk $0xffff, v1  }
0x1f1: {  	[tilespmem:v7+s20+$0x0] =	vst.idx.add.s32.msk $0xffff, v1  }
0x1f2: {  	[tilespmem:v8+s20+$0x0] =	vst.idx.add.s32.msk $0xffff, v1  }
0x1f3: {  	s29 =	simm.s32 $0x0;
	[tilespmem:v9+s20+$0x0] =	vst.idx.add.s32.msk $0xffff, v1  }
.LBB2_18:
0x1f4: {  	s29 =	sadd.s32 $0x2, s29;
	[tilespmem:v2+s20+$0x0] =	vst.idx.add.s32.msk $0xffff, v1;
	s28 =	sadd.s32 $0x100, s28  }
0x1f5: {  	v2 =	vld [tilespmem:s28+$0xFFFFFF80];
	p0 =	slt.u32 s29, $0x1E  }
0x1f6: {  	v3 =	vld [tilespmem:s28+$0xFFFFFF90]  }
0x1f7: {  	v4 =	vld [tilespmem:s28+$0xFFFFFFA0]  }
0x1f8: {  	v5 =	vld [tilespmem:s28+$0xFFFFFFB0]  }
0x1f9: {  	v6 =	vld [tilespmem:s28+$0xFFFFFFC0]  }
0x1fa: {  	v7 =	vld [tilespmem:s28+$0xFFFFFFD0]  }
0x1fb: {  	v8 =	vld [tilespmem:s28+$0xFFFFFFE0]  }
0x1fc: {  	v9 =	vld [tilespmem:s28+$0xFFFFFFF0]  }
0x1fd: {  	[tilespmem:v2+s20+$0x0] =	vst.idx.add.s32.msk $0xffff, v1  }
0x1fe: {  	[tilespmem:v3+s20+$0x0] =	vst.idx.add.s32.msk $0xffff, v1  }
0x1ff: {  	[tilespmem:v4+s20+$0x0] =	vst.idx.add.s32.msk $0xffff, v1  }
0x200: {  	[tilespmem:v5+s20+$0x0] =	vst.idx.add.s32.msk $0xffff, v1  }
0x201: {  	[tilespmem:v6+s20+$0x0] =	vst.idx.add.s32.msk $0xffff, v1  }
0x202: {  	[tilespmem:v7+s20+$0x0] =	vst.idx.add.s32.msk $0xffff, v1  }
0x203: {  	[tilespmem:v8+s20+$0x0] =	vst.idx.add.s32.msk $0xffff, v1  }
0x204: {  	[tilespmem:v9+s20+$0x0] =	vst.idx.add.s32.msk $0xffff, v1  }
0x205: {  	v3 =	vld [tilespmem:s28+$0x0]  }
0x206: {  	v4 =	vld [tilespmem:s28+$0x10]  }
0x207: {  	v5 =	vld [tilespmem:s28+$0x20]  }
0x208: {  	v6 =	vld [tilespmem:s28+$0x30]  }
0x209: {  	v7 =	vld [tilespmem:s28+$0x40]  }
0x20a: {  	v8 =	vld [tilespmem:s28+$0x50]  }
0x20b: {  	v9 =	vld [tilespmem:s28+$0x60]  }
0x20c: {  	v2 =	vld [tilespmem:s28+$0x70]  }
0x20d: {  	[tilespmem:v3+s20+$0x0] =	vst.idx.add.s32.msk $0xffff, v1  }
0x20e: {  	[tilespmem:v4+s20+$0x0] =	vst.idx.add.s32.msk $0xffff, v1  }
.Ltmp8:
0x20f: {  	[tilespmem:v5+s20+$0x0] =	vst.idx.add.s32.msk $0xffff, v1;
	(pc) =	sbr.rel @p0 .LBB2_18-.Ltmp8, $4  }
0x210: {  	[tilespmem:v6+s20+$0x0] =	vst.idx.add.s32.msk $0xffff, v1  }
0x211: {  	[tilespmem:v7+s20+$0x0] =	vst.idx.add.s32.msk $0xffff, v1  }
0x212: {  	[tilespmem:v8+s20+$0x0] =	vst.idx.add.s32.msk $0xffff, v1  }
0x213: {  	[tilespmem:v9+s20+$0x0] =	vst.idx.add.s32.msk $0xffff, v1  }
0x214: {  	_ =	sdelay $0x3  }
0x215: {  	[tilespmem:v2+s20+$0x0] =	vst.idx.add.s32.msk $0xffff, v1  }
0x216: {  	_ =	swait.ge [sflag:s22], $0x1000  }
0x217: {  	[sflag:s22] =	ssyncset.done $0x0  }
0x218: {  	s28 =	simm.s32 $0x2080;
	[sflag:s22] =	ssyncadd.s32 $0xFFFFF000  }
0x219: {  	v2 =	vld [tilespmem:s28+$0xFFFFFF80]  }
0x21a: {  	v3 =	vld [tilespmem:s28+$0xFFFFFF90]  }
0x21b: {  	v4 =	vld [tilespmem:s28+$0xFFFFFFA0]  }
0x21c: {  	v5 =	vld [tilespmem:s28+$0xFFFFFFB0]  }
0x21d: {  	v6 =	vld [tilespmem:s28+$0xFFFFFFC0]  }
0x21e: {  	v7 =	vld [tilespmem:s28+$0xFFFFFFD0]  }
0x21f: {  	v8 =	vld [tilespmem:s28+$0xFFFFFFE0]  }
0x220: {  	v9 =	vld [tilespmem:s28+$0xFFFFFFF0]  }
0x221: {  	[tilespmem:v2+s20+$0x0] =	vst.idx.add.s32.msk $0xffff, v1  }
0x222: {  	[tilespmem:v3+s20+$0x0] =	vst.idx.add.s32.msk $0xffff, v1  }
0x223: {  	[tilespmem:v4+s20+$0x0] =	vst.idx.add.s32.msk $0xffff, v1  }
0x224: {  	[tilespmem:v5+s20+$0x0] =	vst.idx.add.s32.msk $0xffff, v1  }
0x225: {  	[tilespmem:v6+s20+$0x0] =	vst.idx.add.s32.msk $0xffff, v1  }
0x226: {  	[tilespmem:v7+s20+$0x0] =	vst.idx.add.s32.msk $0xffff, v1  }
0x227: {  	[tilespmem:v8+s20+$0x0] =	vst.idx.add.s32.msk $0xffff, v1  }
0x228: {  	[tilespmem:v9+s20+$0x0] =	vst.idx.add.s32.msk $0xffff, v1  }
0x229: {  	v3 =	vld [tilespmem:s28+$0x0]  }
0x22a: {  	v4 =	vld [tilespmem:s28+$0x10]  }
0x22b: {  	v5 =	vld [tilespmem:s28+$0x20]  }
0x22c: {  	v6 =	vld [tilespmem:s28+$0x30]  }
0x22d: {  	v7 =	vld [tilespmem:s28+$0x40]  }
0x22e: {  	v8 =	vld [tilespmem:s28+$0x50]  }
0x22f: {  	v9 =	vld [tilespmem:s28+$0x60]  }
0x230: {  	v2 =	vld [tilespmem:s28+$0x70]  }
0x231: {  	[tilespmem:v3+s20+$0x0] =	vst.idx.add.s32.msk $0xffff, v1  }
0x232: {  	[tilespmem:v4+s20+$0x0] =	vst.idx.add.s32.msk $0xffff, v1  }
0x233: {  	[tilespmem:v5+s20+$0x0] =	vst.idx.add.s32.msk $0xffff, v1  }
0x234: {  	[tilespmem:v6+s20+$0x0] =	vst.idx.add.s32.msk $0xffff, v1  }
0x235: {  	[tilespmem:v7+s20+$0x0] =	vst.idx.add.s32.msk $0xffff, v1  }
0x236: {  	[tilespmem:v8+s20+$0x0] =	vst.idx.add.s32.msk $0xffff, v1  }
0x237: {  	s29 =	simm.s32 $0x0;
	[tilespmem:v9+s20+$0x0] =	vst.idx.add.s32.msk $0xffff, v1  }
.LBB2_20:
0x238: {  	s29 =	sadd.s32 $0x2, s29;
	[tilespmem:v2+s20+$0x0] =	vst.idx.add.s32.msk $0xffff, v1;
	s28 =	sadd.s32 $0x100, s28  }
0x239: {  	v2 =	vld [tilespmem:s28+$0xFFFFFF80];
	p0 =	slt.u32 s29, $0x1E  }
0x23a: {  	v3 =	vld [tilespmem:s28+$0xFFFFFF90]  }
0x23b: {  	v4 =	vld [tilespmem:s28+$0xFFFFFFA0]  }
0x23c: {  	v5 =	vld [tilespmem:s28+$0xFFFFFFB0]  }
0x23d: {  	v6 =	vld [tilespmem:s28+$0xFFFFFFC0]  }
0x23e: {  	v7 =	vld [tilespmem:s28+$0xFFFFFFD0]  }
0x23f: {  	v8 =	vld [tilespmem:s28+$0xFFFFFFE0]  }
0x240: {  	v9 =	vld [tilespmem:s28+$0xFFFFFFF0]  }
0x241: {  	[tilespmem:v2+s20+$0x0] =	vst.idx.add.s32.msk $0xffff, v1  }
0x242: {  	[tilespmem:v3+s20+$0x0] =	vst.idx.add.s32.msk $0xffff, v1  }
0x243: {  	[tilespmem:v4+s20+$0x0] =	vst.idx.add.s32.msk $0xffff, v1  }
0x244: {  	[tilespmem:v5+s20+$0x0] =	vst.idx.add.s32.msk $0xffff, v1  }
0x245: {  	[tilespmem:v6+s20+$0x0] =	vst.idx.add.s32.msk $0xffff, v1  }
0x246: {  	[tilespmem:v7+s20+$0x0] =	vst.idx.add.s32.msk $0xffff, v1  }
0x247: {  	[tilespmem:v8+s20+$0x0] =	vst.idx.add.s32.msk $0xffff, v1  }
0x248: {  	[tilespmem:v9+s20+$0x0] =	vst.idx.add.s32.msk $0xffff, v1  }
0x249: {  	v3 =	vld [tilespmem:s28+$0x0]  }
0x24a: {  	v4 =	vld [tilespmem:s28+$0x10]  }
0x24b: {  	v5 =	vld [tilespmem:s28+$0x20]  }
0x24c: {  	v6 =	vld [tilespmem:s28+$0x30]  }
0x24d: {  	v7 =	vld [tilespmem:s28+$0x40]  }
0x24e: {  	v8 =	vld [tilespmem:s28+$0x50]  }
0x24f: {  	v9 =	vld [tilespmem:s28+$0x60]  }
0x250: {  	v2 =	vld [tilespmem:s28+$0x70]  }
0x251: {  	[tilespmem:v3+s20+$0x0] =	vst.idx.add.s32.msk $0xffff, v1  }
0x252: {  	[tilespmem:v4+s20+$0x0] =	vst.idx.add.s32.msk $0xffff, v1  }
.Ltmp9:
0x253: {  	[tilespmem:v5+s20+$0x0] =	vst.idx.add.s32.msk $0xffff, v1;
	(pc) =	sbr.rel @p0 .LBB2_20-.Ltmp9, $4  }
0x254: {  	[tilespmem:v6+s20+$0x0] =	vst.idx.add.s32.msk $0xffff, v1  }
0x255: {  	[tilespmem:v7+s20+$0x0] =	vst.idx.add.s32.msk $0xffff, v1  }
0x256: {  	[tilespmem:v8+s20+$0x0] =	vst.idx.add.s32.msk $0xffff, v1  }
0x257: {  	[tilespmem:v9+s20+$0x0] =	vst.idx.add.s32.msk $0xffff, v1  }
0x258: {  	_ =	sdelay $0x3  }
0x259: {  	[tilespmem:v2+s20+$0x0] =	vst.idx.add.s32.msk $0xffff, v1  }
0x25a: {  	_ =	swait.ge [sflag:s23], $0x1000  }
0x25b: {  	[sflag:s23] =	ssyncset.done $0x0  }
0x25c: {  	s28 =	simm.s32 $0x3080;
	[sflag:s23] =	ssyncadd.s32 $0xFFFFF000  }
0x25d: {  	v2 =	vld [tilespmem:s28+$0xFFFFFF80]  }
0x25e: {  	v3 =	vld [tilespmem:s28+$0xFFFFFF90]  }
0x25f: {  	v4 =	vld [tilespmem:s28+$0xFFFFFFA0]  }
0x260: {  	v5 =	vld [tilespmem:s28+$0xFFFFFFB0]  }
0x261: {  	v6 =	vld [tilespmem:s28+$0xFFFFFFC0]  }
0x262: {  	v7 =	vld [tilespmem:s28+$0xFFFFFFD0]  }
0x263: {  	v8 =	vld [tilespmem:s28+$0xFFFFFFE0]  }
0x264: {  	v9 =	vld [tilespmem:s28+$0xFFFFFFF0]  }
0x265: {  	[tilespmem:v2+s20+$0x0] =	vst.idx.add.s32.msk $0xffff, v1  }
0x266: {  	[tilespmem:v3+s20+$0x0] =	vst.idx.add.s32.msk $0xffff, v1  }
0x267: {  	[tilespmem:v4+s20+$0x0] =	vst.idx.add.s32.msk $0xffff, v1  }
0x268: {  	[tilespmem:v5+s20+$0x0] =	vst.idx.add.s32.msk $0xffff, v1  }
0x269: {  	[tilespmem:v6+s20+$0x0] =	vst.idx.add.s32.msk $0xffff, v1  }
0x26a: {  	[tilespmem:v7+s20+$0x0] =	vst.idx.add.s32.msk $0xffff, v1  }
0x26b: {  	[tilespmem:v8+s20+$0x0] =	vst.idx.add.s32.msk $0xffff, v1  }
0x26c: {  	[tilespmem:v9+s20+$0x0] =	vst.idx.add.s32.msk $0xffff, v1  }
0x26d: {  	v3 =	vld [tilespmem:s28+$0x0]  }
0x26e: {  	v4 =	vld [tilespmem:s28+$0x10]  }
0x26f: {  	v5 =	vld [tilespmem:s28+$0x20]  }
0x270: {  	v6 =	vld [tilespmem:s28+$0x30]  }
0x271: {  	v7 =	vld [tilespmem:s28+$0x40]  }
0x272: {  	v8 =	vld [tilespmem:s28+$0x50]  }
0x273: {  	v9 =	vld [tilespmem:s28+$0x60]  }
0x274: {  	v2 =	vld [tilespmem:s28+$0x70]  }
0x275: {  	[tilespmem:v3+s20+$0x0] =	vst.idx.add.s32.msk $0xffff, v1  }
0x276: {  	[tilespmem:v4+s20+$0x0] =	vst.idx.add.s32.msk $0xffff, v1  }
0x277: {  	[tilespmem:v5+s20+$0x0] =	vst.idx.add.s32.msk $0xffff, v1  }
0x278: {  	[tilespmem:v6+s20+$0x0] =	vst.idx.add.s32.msk $0xffff, v1  }
0x279: {  	[tilespmem:v7+s20+$0x0] =	vst.idx.add.s32.msk $0xffff, v1  }
0x27a: {  	[tilespmem:v8+s20+$0x0] =	vst.idx.add.s32.msk $0xffff, v1  }
0x27b: {  	s29 =	simm.s32 $0x0;
	[tilespmem:v9+s20+$0x0] =	vst.idx.add.s32.msk $0xffff, v1  }
.LBB2_22:
0x27c: {  	s29 =	sadd.s32 $0x2, s29;
	[tilespmem:v2+s20+$0x0] =	vst.idx.add.s32.msk $0xffff, v1;
	s28 =	sadd.s32 $0x100, s28  }
0x27d: {  	v2 =	vld [tilespmem:s28+$0xFFFFFF80];
	p0 =	slt.u32 s29, $0x1E  }
0x27e: {  	v3 =	vld [tilespmem:s28+$0xFFFFFF90]  }
0x27f: {  	v4 =	vld [tilespmem:s28+$0xFFFFFFA0]  }
0x280: {  	v5 =	vld [tilespmem:s28+$0xFFFFFFB0]  }
0x281: {  	v6 =	vld [tilespmem:s28+$0xFFFFFFC0]  }
0x282: {  	v7 =	vld [tilespmem:s28+$0xFFFFFFD0]  }
0x283: {  	v8 =	vld [tilespmem:s28+$0xFFFFFFE0]  }
0x284: {  	v9 =	vld [tilespmem:s28+$0xFFFFFFF0]  }
0x285: {  	[tilespmem:v2+s20+$0x0] =	vst.idx.add.s32.msk $0xffff, v1  }
0x286: {  	[tilespmem:v3+s20+$0x0] =	vst.idx.add.s32.msk $0xffff, v1  }
0x287: {  	[tilespmem:v4+s20+$0x0] =	vst.idx.add.s32.msk $0xffff, v1  }
0x288: {  	[tilespmem:v5+s20+$0x0] =	vst.idx.add.s32.msk $0xffff, v1  }
0x289: {  	[tilespmem:v6+s20+$0x0] =	vst.idx.add.s32.msk $0xffff, v1  }
0x28a: {  	[tilespmem:v7+s20+$0x0] =	vst.idx.add.s32.msk $0xffff, v1  }
0x28b: {  	[tilespmem:v8+s20+$0x0] =	vst.idx.add.s32.msk $0xffff, v1  }
0x28c: {  	[tilespmem:v9+s20+$0x0] =	vst.idx.add.s32.msk $0xffff, v1  }
0x28d: {  	v3 =	vld [tilespmem:s28+$0x0]  }
0x28e: {  	v4 =	vld [tilespmem:s28+$0x10]  }
0x28f: {  	v5 =	vld [tilespmem:s28+$0x20]  }
0x290: {  	v6 =	vld [tilespmem:s28+$0x30]  }
0x291: {  	v7 =	vld [tilespmem:s28+$0x40]  }
0x292: {  	v8 =	vld [tilespmem:s28+$0x50]  }
0x293: {  	v9 =	vld [tilespmem:s28+$0x60]  }
0x294: {  	v2 =	vld [tilespmem:s28+$0x70]  }
0x295: {  	[tilespmem:v3+s20+$0x0] =	vst.idx.add.s32.msk $0xffff, v1  }
0x296: {  	[tilespmem:v4+s20+$0x0] =	vst.idx.add.s32.msk $0xffff, v1  }
.Ltmp10:
0x297: {  	[tilespmem:v5+s20+$0x0] =	vst.idx.add.s32.msk $0xffff, v1;
	(pc) =	sbr.rel @p0 .LBB2_22-.Ltmp10, $4  }
0x298: {  	[tilespmem:v6+s20+$0x0] =	vst.idx.add.s32.msk $0xffff, v1  }
0x299: {  	[tilespmem:v7+s20+$0x0] =	vst.idx.add.s32.msk $0xffff, v1  }
0x29a: {  	[tilespmem:v8+s20+$0x0] =	vst.idx.add.s32.msk $0xffff, v1  }
0x29b: {  	[tilespmem:v9+s20+$0x0] =	vst.idx.add.s32.msk $0xffff, v1  }
0x29c: {  	_ =	sdelay $0x1  }
0x29d: {  	s26 =	sadd.s32 $0x1, s26  }
0x29e: {  	p0 =	sne.s32 s26, s14  }
.Ltmp11:
0x29f: {  	[tilespmem:v2+s20+$0x0] =	vst.idx.add.s32.msk $0xffff, v1;
	(pc) =	sbr.rel @p0 .LBB2_1-.Ltmp11, $4  }
0x2a0: {  	[hbm4b:s13+s3] =	stream.linear.scatter [tilespmem:s20], [sflag:$0x6], $0x18800, $0x38;
	[tilespmem:$0x1D800] =	vst v63  }
0x2a1: {  	_ =	swait.ge [sflag:s25], $0x18800  }
0x2a2: {  	[sflag:s25] =	ssyncset.done $0x0  }
0x2a3: {  	[sflag:s25] =	ssyncadd.s32 $0xFFFE7800  }
0x2a4: {  	_ =	sfence.sel $0x180000  }
0x2a5: {  	[bflag:$0x0] =	sbarrier.arrive $0xFFFF  }
0x2a6: {  	p0 =	sne.s32 s1, $0x0;
	_ =	strace $0x90000047  }
0x2a7: {  	s0 =	sadd.s32 @!p0 $0x100000, s0;
	[bflag:$0x2] =	sbarrier.arrive $0xFFFF  }
0x2a8: {  	[sflag:s0] =	ssyncadd.tile.s32 @!p0 $0x1;
	_ =	shalt  }
.Lfunc_end2:
_tile_overlayer_lowered:
.L_overlay_start_2:
0x2a9: {  	(tag) =	ssettag $0x2  }
0x2aa: {  	s0 =	rddreg [dreg:$0x0];
	s2 =	stileid.u32  }
0x2ab: {  	s1 =	rddreg [dreg:$0x1];
	p0 =	sne.s32 s2, $0x0  }
0x2ac: {  	s3 =	rddreg [dreg:$0x2];
	[bflag:$0x3] =	sbarrier.arrive $0xFFFF;
	s2 =	simm.s32 @!p0 $0x1C06  }
0x2ad: {  	[timem:s3], [sflag:s2] =	dma.local @!p0 [hbm:s0], s1  }
0x2ae: {  	s0 =	simm.s32 @!p0 $0x6  }
0x2af: {  	_ =	swait.ge @!p0 [sflag:s0], s1  }
0x2b0: {  	s1 =	ssub.s32 @!p0 $0x0, s1;
	[sflag:s0] =	ssyncset.done @!p0 $0x0  }
0x2b1: {  	[sflag:s0] =	ssyncadd.s32 @!p0 s1  }
0x2b2: {  	[bflag:$0x3] =	sbarrier.arrive $0xFFFF  }
0x2b3: {  	_ =	shalt  }

</sc_bundles>
